<compile_context>
chip_gen: v7x
topology: tpu7x:2x2x1
jax: 0.10.2.dev20260603
libtpu: 0.0.44.dev20260713+nightly
codegen_flags: <defaults>
</compile_context>

<pallas_src>
import jax
import jax.numpy as jnp
from jax import lax
from jax.experimental import pallas as pl
from jax.experimental.pallas import tpu as pltpu
from jax.experimental.pallas import tpu_sc as plsc

N_NODES = 10000
D = 128
W = D // 2
WP = W
E = 320000
NC = 2
NS = 16
NW = NC * NS
EPW = E // NW
CHUNK = 80
NCHUNK = EPW // CHUNK
GROUPS = CHUNK // 16
WUNROLL = 4


def _body(zs_hbm, zd_hbm, sidx_hbm, didx_hbm, out_hbm,
          sidx_v, didx_v, rows_s0, rows_d0, rows_s1, rows_d1, out_v,
          sem_s0, sem_d0, sem_s1, sem_d1):
    wid = lax.axis_index("s") * NC + lax.axis_index("c")
    base = wid * EPW
    lane = lax.iota(jnp.int32, 16)
    group_rows = [lane + (g * 16) for g in range(GROUPS)]

    pltpu.sync_copy(sidx_hbm.at[pl.ds(base, EPW)], sidx_v)
    pltpu.sync_copy(didx_hbm.at[pl.ds(base, EPW)], didx_v)

    bufs = ((rows_s0, rows_d0, sem_s0, sem_d0),
            (rows_s1, rows_d1, sem_s1, sem_d1))

    def start_gather(c, b):
        rs, rd, ss, sd = bufs[b]
        pltpu.async_copy(zs_hbm.at[sidx_v.at[pl.ds(c * CHUNK, CHUNK)]], rs, ss)
        pltpu.async_copy(zd_hbm.at[didx_v.at[pl.ds(c * CHUNK, CHUNK)]], rd, sd)

    def wait_gather(c, b):
        rs, rd, ss, sd = bufs[b]
        pltpu.make_async_copy(
            zs_hbm.at[sidx_v.at[pl.ds(c * CHUNK, CHUNK)]], rs, ss).wait()
        pltpu.make_async_copy(
            zd_hbm.at[didx_v.at[pl.ds(c * CHUNK, CHUNK)]], rd, sd).wait()

    def compute(c, b):
        rs, rd, _, _ = bufs[b]
        obase = c * CHUNK

        def w_body(k, accs):
            accs = list(accs)
            bacc = [None] * GROUPS
            for u in range(WUNROLL):
                col = (lane + (k * WUNROLL + u)) & (W - 1)
                for g in range(GROUPS):
                    vs = plsc.bitcast(
                        plsc.load_gather(rs, [group_rows[g], col]),
                        jnp.bfloat16)
                    vd = plsc.bitcast(
                        plsc.load_gather(rd, [group_rows[g], col]),
                        jnp.bfloat16)
                    p = vs * vd
                    bacc[g] = p if bacc[g] is None else bacc[g] + p
            for g in range(GROUPS):
                p_lo, p_hi = plsc.unpack(
                    bacc[g], format=plsc.PackFormat.INTERLEAVED)
                accs[g] = accs[g] + (p_lo + p_hi)
            return tuple(accs)

        zero = jnp.zeros((16,), jnp.float32)
        accs = lax.fori_loop(0, W // WUNROLL, w_body, (zero,) * GROUPS)
        for g in range(GROUPS):
            out_v[pl.ds(obase + g * 16, 16)] = accs[g]

    start_gather(0, 0)

    def pair_body(k, _):
        c = 2 * k
        start_gather(c + 1, 1)
        wait_gather(c, 0)
        compute(c, 0)
        start_gather(c + 2, 0)
        wait_gather(c + 1, 1)
        compute(c + 1, 1)
        return ()

    lax.fori_loop(0, (NCHUNK - 1) // 2, pair_body, ())
    if NCHUNK % 2 == 1:
        wait_gather(NCHUNK - 1, 0)
        compute(NCHUNK - 1, 0)
    else:
        start_gather(NCHUNK - 1, 1)
        wait_gather(NCHUNK - 2, 0)
        compute(NCHUNK - 2, 0)
        wait_gather(NCHUNK - 1, 1)
        compute(NCHUNK - 1, 1)

    pltpu.sync_copy(out_v, out_hbm.at[pl.ds(base, EPW)])


@jax.jit
def _run(z_src, z_dst, src_idx, dst_idx):
    mesh = plsc.VectorSubcoreMesh(core_axis_name="c", subcore_axis_name="s")
    f = pl.kernel(
        _body,
        out_type=jax.ShapeDtypeStruct((E,), jnp.float32),
        mesh=mesh,
        compiler_params=pltpu.CompilerParams(
            needs_layout_passes=False, use_tc_tiling_on_sc=False),
        scratch_types=[
            pltpu.VMEM((EPW,), jnp.int32),
            pltpu.VMEM((EPW,), jnp.int32),
            pltpu.VMEM((CHUNK, WP), jnp.int32),
            pltpu.VMEM((CHUNK, WP), jnp.int32),
            pltpu.VMEM((CHUNK, WP), jnp.int32),
            pltpu.VMEM((CHUNK, WP), jnp.int32),
            pltpu.VMEM((EPW,), jnp.float32),
            pltpu.SemaphoreType.DMA,
            pltpu.SemaphoreType.DMA,
            pltpu.SemaphoreType.DMA,
            pltpu.SemaphoreType.DMA,
        ],
    )
    return f(z_src, z_dst, src_idx, dst_idx)


def _pack_bf16(z):
    zb = z.astype(jnp.bfloat16).reshape(z.shape[0], z.shape[1] // 2, 2)
    return jax.lax.bitcast_convert_type(zb, jnp.int32)


def kernel(z_src, z_dst, edge_label_index):
    return _run(_pack_bf16(z_src), _pack_bf16(z_dst),
                edge_label_index[0], edge_label_index[1])

# --- scband reference (transcript-rebuilt; emitter-appended) ---
"""Pipeline reference for scband-link-prediction-decoder-17721035063559 (READ-ONLY COPY).

The authoritative reference and input builder live on the scoring server;
editing this copy changes nothing except your own understanding.
"""

import jax, jax.numpy as jnp
import numpy as np

N_NODES = 10000
D_FEAT = 128
N_EDGES = 320000


def setup_inputs(seed: int = 0) -> dict:
    key = jax.random.key(seed)
    k1, k2, k3 = jax.random.split(key, 3)
    z_src = jax.random.normal(k1, (N_NODES, D_FEAT), dtype=jnp.float32)
    z_dst = jax.random.normal(k2, (N_NODES, D_FEAT), dtype=jnp.float32)
    edge_label_index = jax.random.randint(k3, (2, N_EDGES), 0, N_NODES, dtype=jnp.int32)
    return {"z_src": z_src, "z_dst": z_dst, "edge_label_index": edge_label_index}


def reference(z_src, z_dst, edge_label_index):
    # z_dict lookup resolved: z_dict[src_type] -> z_src, z_dict[dst_type] -> z_dst
    src_indices = edge_label_index[0]
    dst_indices = edge_label_index[1]
    z_s = jnp.take(z_src, src_indices, axis=0)  # gather [E, d]
    z_d = jnp.take(z_dst, dst_indices, axis=0)  # gather [E, d]
    return jnp.sum(z_s * z_d, axis=-1)  # [E]

if __name__ == "__main__":
    import jax
    _d = setup_inputs()
    print(jax.jit(kernel)(*tuple(_d.values())))

</pallas_src>

<mosaic_0001>
#map = affine_map<(d0, d1) -> (0, 0)>
#map1 = affine_map<(d0, d1) -> (0)>
module attributes {stable_mosaic.version = 14 : i64} {
  func.func @_body(%arg0: i32, %arg1: i32, %arg2: memref<10000x64xi32, #tpu.memory_space<hbm>>, %arg3: memref<10000x64xi32, #tpu.memory_space<hbm>>, %arg4: memref<320000xi32, #tpu.memory_space<hbm>>, %arg5: memref<320000xi32, #tpu.memory_space<hbm>>, %arg6: memref<320000xf32, #tpu.memory_space<hbm>>, %arg7: memref<10000xi32, #tpu.memory_space<vmem>>, %arg8: memref<10000xi32, #tpu.memory_space<vmem>>, %arg9: memref<80x64xi32, #tpu.memory_space<vmem>>, %arg10: memref<80x64xi32, #tpu.memory_space<vmem>>, %arg11: memref<80x64xi32, #tpu.memory_space<vmem>>, %arg12: memref<80x64xi32, #tpu.memory_space<vmem>>, %arg13: memref<10000xf32, #tpu.memory_space<vmem>>, %arg14: memref<!tpu.dma_semaphore, #tpu.memory_space<semaphore_mem>>, %arg15: memref<!tpu.dma_semaphore, #tpu.memory_space<semaphore_mem>>, %arg16: memref<!tpu.dma_semaphore, #tpu.memory_space<semaphore_mem>>, %arg17: memref<!tpu.dma_semaphore, #tpu.memory_space<semaphore_mem>>) attributes {dimension_semantics = [#tpu.dimension_semantics<core_parallel>, #tpu.dimension_semantics<subcore_parallel>], iteration_bounds = array<i64: 2, 16>, scalar_prefetch = 0 : i64, scratch_operands = 11 : i64, tpu.core_type = #tpu.core_type<sc_vector_subcore>, window_params = [{transform_indices = #map}, {transform_indices = #map}, {transform_indices = #map1}, {transform_indices = #map1}, {transform_indices = #map1}]} {
    %mul3A = arith.constant 2 : i32
    %mul3A_0 = arith.muli %arg1, %mul3A : i32
    %add3A = arith.addi %mul3A_0, %arg0 : i32
    %mul3A_1 = arith.constant 10000 : i32
    %mul3A_2 = arith.muli %add3A, %mul3A_1 : i32
    %iota3A = tpu.iota {dimensions = array<i32: 0>} : vector<16xi32>
    %add3A_3 = arith.constant 0 : i32
    %add3A_4 = vector.broadcast %add3A_3 : i32 to vector<16xi32>
    %add3A_5 = arith.addi %iota3A, %add3A_4 : vector<16xi32>
    %add3A_6 = arith.constant 16 : i32
    %add3A_7 = vector.broadcast %add3A_6 : i32 to vector<16xi32>
    %add3A_8 = arith.addi %iota3A, %add3A_7 : vector<16xi32>
    %add3A_9 = arith.constant 32 : i32
    %add3A_10 = vector.broadcast %add3A_9 : i32 to vector<16xi32>
    %add3A_11 = arith.addi %iota3A, %add3A_10 : vector<16xi32>
    %add3A_12 = arith.constant 48 : i32
    %add3A_13 = vector.broadcast %add3A_12 : i32 to vector<16xi32>
    %add3A_14 = arith.addi %iota3A, %add3A_13 : vector<16xi32>
    %add3A_15 = arith.constant 64 : i32
    %add3A_16 = vector.broadcast %add3A_15 : i32 to vector<16xi32>
    %add3A_17 = arith.addi %iota3A, %add3A_16 : vector<16xi32>
    "tpu.region"() ({
      %run_scoped3A = tpu.sem_alloc : memref<!tpu.dma_semaphore, #tpu.memory_space<semaphore_mem>>
      %dma_start3A_56 = tpu.memref_slice %arg4[%mul3A_2] : memref<320000xi32, #tpu.memory_space<hbm>> -> memref<10000xi32, #tpu.memory_space<hbm>>
      %dma_start3A_57 = tpu.memref_slice %arg4[%mul3A_2] : memref<320000xi32, #tpu.memory_space<hbm>> -> memref<10000xi32, #tpu.memory_space<hbm>>
      tpu.enqueue_dma source(%dma_start3A_57 : memref<10000xi32, #tpu.memory_space<hbm>>) target(%arg7 : memref<10000xi32, #tpu.memory_space<vmem>>) target_semaphore(%run_scoped3A : memref<!tpu.dma_semaphore, #tpu.memory_space<semaphore_mem>>)
      %dma_wait3A_58 = tpu.memref_slice %arg4[%mul3A_2] : memref<320000xi32, #tpu.memory_space<hbm>> -> memref<10000xi32, #tpu.memory_space<hbm>>
      %dma_wait3A_59 = tpu.memref_slice %arg4[%mul3A_2] : memref<320000xi32, #tpu.memory_space<hbm>> -> memref<10000xi32, #tpu.memory_space<hbm>>
      tpu.wait_dma2 semaphore(%run_scoped3A : memref<!tpu.dma_semaphore, #tpu.memory_space<semaphore_mem>>) src(%dma_wait3A_59 : memref<10000xi32, #tpu.memory_space<hbm>>) dst(%arg7 : memref<10000xi32, #tpu.memory_space<vmem>>)
      tpu.yield
    }) : () -> ()
    "tpu.region"() ({
      %run_scoped3A = tpu.sem_alloc : memref<!tpu.dma_semaphore, #tpu.memory_space<semaphore_mem>>
      %dma_start3A_56 = tpu.memref_slice %arg5[%mul3A_2] : memref<320000xi32, #tpu.memory_space<hbm>> -> memref<10000xi32, #tpu.memory_space<hbm>>
      %dma_start3A_57 = tpu.memref_slice %arg5[%mul3A_2] : memref<320000xi32, #tpu.memory_space<hbm>> -> memref<10000xi32, #tpu.memory_space<hbm>>
      tpu.enqueue_dma source(%dma_start3A_57 : memref<10000xi32, #tpu.memory_space<hbm>>) target(%arg8 : memref<10000xi32, #tpu.memory_space<vmem>>) target_semaphore(%run_scoped3A : memref<!tpu.dma_semaphore, #tpu.memory_space<semaphore_mem>>)
      %dma_wait3A_58 = tpu.memref_slice %arg5[%mul3A_2] : memref<320000xi32, #tpu.memory_space<hbm>> -> memref<10000xi32, #tpu.memory_space<hbm>>
      %dma_wait3A_59 = tpu.memref_slice %arg5[%mul3A_2] : memref<320000xi32, #tpu.memory_space<hbm>> -> memref<10000xi32, #tpu.memory_space<hbm>>
      tpu.wait_dma2 semaphore(%run_scoped3A : memref<!tpu.dma_semaphore, #tpu.memory_space<semaphore_mem>>) src(%dma_wait3A_59 : memref<10000xi32, #tpu.memory_space<hbm>>) dst(%arg8 : memref<10000xi32, #tpu.memory_space<vmem>>)
      tpu.yield
    }) : () -> ()
    %dma_start3A = arith.constant 0 : i32
    %dma_start3A_18 = tpu.memref_slice %arg7[%dma_start3A] : memref<10000xi32, #tpu.memory_space<vmem>> -> memref<80xi32, #tpu.memory_space<vmem>>
    %dma_start3A_19 = arith.constant 0 : i32
    %dma_start3A_20 = arith.constant 0 : i32
    %dma_start3A_21 = tpu.memref_slice %arg2[%dma_start3A_19, %dma_start3A_20] : memref<10000x64xi32, #tpu.memory_space<hbm>> -> memref<10000x64xi32, #tpu.memory_space<hbm>>
    tpu.enqueue_indirect_dma source(%dma_start3A_21 : memref<10000x64xi32, #tpu.memory_space<hbm>>) target(%arg9 : memref<80x64xi32, #tpu.memory_space<vmem>>) offsets(%dma_start3A_18 : memref<80xi32, #tpu.memory_space<vmem>>) semaphore(%arg14 : memref<!tpu.dma_semaphore, #tpu.memory_space<semaphore_mem>>)
    %dma_start3A_22 = arith.constant 0 : i32
    %dma_start3A_23 = tpu.memref_slice %arg8[%dma_start3A_22] : memref<10000xi32, #tpu.memory_space<vmem>> -> memref<80xi32, #tpu.memory_space<vmem>>
    %dma_start3A_24 = arith.constant 0 : i32
    %dma_start3A_25 = arith.constant 0 : i32
    %dma_start3A_26 = tpu.memref_slice %arg3[%dma_start3A_24, %dma_start3A_25] : memref<10000x64xi32, #tpu.memory_space<hbm>> -> memref<10000x64xi32, #tpu.memory_space<hbm>>
    tpu.enqueue_indirect_dma source(%dma_start3A_26 : memref<10000x64xi32, #tpu.memory_space<hbm>>) target(%arg10 : memref<80x64xi32, #tpu.memory_space<vmem>>) offsets(%dma_start3A_23 : memref<80xi32, #tpu.memory_space<vmem>>) semaphore(%arg15 : memref<!tpu.dma_semaphore, #tpu.memory_space<semaphore_mem>>)
    %scan3A = arith.constant 0 : i32
    %scan3A_27 = arith.constant 62 : i32
    %scan3A_28 = arith.addi %scan3A, %scan3A_27 : i32
    %scan3A_29 = arith.constant 1 : i32
    scf.for %scan3A_56 = %scan3A to %scan3A_28 step %scan3A_29  : i32 {
      %mul3A_57 = arith.constant 2 : i32
      %mul3A_58 = arith.muli %mul3A_57, %scan3A_56 : i32
      %add3A_59 = arith.constant 1 : i32
      %add3A_60 = arith.addi %mul3A_58, %add3A_59 : i32
      %mul3A_61 = arith.constant 80 : i32
      %mul3A_62 = arith.muli %add3A_60, %mul3A_61 : i32
      %dma_start3A_63 = tpu.memref_slice %arg7[%mul3A_62] : memref<10000xi32, #tpu.memory_space<vmem>> -> memref<80xi32, #tpu.memory_space<vmem>>
      %dma_start3A_64 = arith.constant 0 : i32
      %dma_start3A_65 = arith.constant 0 : i32
      %dma_start3A_66 = tpu.memref_slice %arg2[%dma_start3A_64, %dma_start3A_65] : memref<10000x64xi32, #tpu.memory_space<hbm>> -> memref<10000x64xi32, #tpu.memory_space<hbm>>
      tpu.enqueue_indirect_dma source(%dma_start3A_66 : memref<10000x64xi32, #tpu.memory_space<hbm>>) target(%arg11 : memref<80x64xi32, #tpu.memory_space<vmem>>) offsets(%dma_start3A_63 : memref<80xi32, #tpu.memory_space<vmem>>) semaphore(%arg16 : memref<!tpu.dma_semaphore, #tpu.memory_space<semaphore_mem>>)
      %mul3A_67 = arith.constant 80 : i32
      %mul3A_68 = arith.muli %add3A_60, %mul3A_67 : i32
      %dma_start3A_69 = tpu.memref_slice %arg8[%mul3A_68] : memref<10000xi32, #tpu.memory_space<vmem>> -> memref<80xi32, #tpu.memory_space<vmem>>
      %dma_start3A_70 = arith.constant 0 : i32
      %dma_start3A_71 = arith.constant 0 : i32
      %dma_start3A_72 = tpu.memref_slice %arg3[%dma_start3A_70, %dma_start3A_71] : memref<10000x64xi32, #tpu.memory_space<hbm>> -> memref<10000x64xi32, #tpu.memory_space<hbm>>
      tpu.enqueue_indirect_dma source(%dma_start3A_72 : memref<10000x64xi32, #tpu.memory_space<hbm>>) target(%arg12 : memref<80x64xi32, #tpu.memory_space<vmem>>) offsets(%dma_start3A_69 : memref<80xi32, #tpu.memory_space<vmem>>) semaphore(%arg17 : memref<!tpu.dma_semaphore, #tpu.memory_space<semaphore_mem>>)
      %mul3A_73 = arith.constant 80 : i32
      %mul3A_74 = arith.muli %mul3A_58, %mul3A_73 : i32
      %dma_wait3A_75 = tpu.memref_slice %arg7[%mul3A_74] : memref<10000xi32, #tpu.memory_space<vmem>> -> memref<80xi32, #tpu.memory_space<vmem>>
      %dma_wait3A_76 = arith.constant 0 : i32
      %dma_wait3A_77 = arith.constant 0 : i32
      %dma_wait3A_78 = tpu.memref_slice %arg2[%dma_wait3A_76, %dma_wait3A_77] : memref<10000x64xi32, #tpu.memory_space<hbm>> -> memref<10000x64xi32, #tpu.memory_space<hbm>>
      tpu.wait_indirect_dma semaphore(%arg14 : memref<!tpu.dma_semaphore, #tpu.memory_space<semaphore_mem>>) src(%dma_wait3A_78 : memref<10000x64xi32, #tpu.memory_space<hbm>>) dst(%arg9 : memref<80x64xi32, #tpu.memory_space<vmem>>)
      %mul3A_79 = arith.constant 80 : i32
      %mul3A_80 = arith.muli %mul3A_58, %mul3A_79 : i32
      %dma_wait3A_81 = tpu.memref_slice %arg8[%mul3A_80] : memref<10000xi32, #tpu.memory_space<vmem>> -> memref<80xi32, #tpu.memory_space<vmem>>
      %dma_wait3A_82 = arith.constant 0 : i32
      %dma_wait3A_83 = arith.constant 0 : i32
      %dma_wait3A_84 = tpu.memref_slice %arg3[%dma_wait3A_82, %dma_wait3A_83] : memref<10000x64xi32, #tpu.memory_space<hbm>> -> memref<10000x64xi32, #tpu.memory_space<hbm>>
      tpu.wait_indirect_dma semaphore(%arg15 : memref<!tpu.dma_semaphore, #tpu.memory_space<semaphore_mem>>) src(%dma_wait3A_84 : memref<10000x64xi32, #tpu.memory_space<hbm>>) dst(%arg10 : memref<80x64xi32, #tpu.memory_space<vmem>>)
      %mul3A_85 = arith.constant 80 : i32
      %mul3A_86 = arith.muli %mul3A_58, %mul3A_85 : i32
      %broadcast_in_dim3A_87 = arith.constant 0.000000e+00 : f32
      %broadcast_in_dim3A_88 = vector.broadcast %broadcast_in_dim3A_87 : f32 to vector<16xf32>
      %scan3A_89 = arith.constant 0 : i32
      %scan3A_90 = arith.constant 16 : i32
      %scan3A_91 = arith.addi %scan3A_89, %scan3A_90 : i32
      %scan3A_92 = arith.constant 1 : i32
      %scan3A_93:5 = scf.for %scan3A_175 = %scan3A_89 to %scan3A_91 step %scan3A_92 iter_args(%scan3A_176 = %broadcast_in_dim3A_88, %scan3A_177 = %broadcast_in_dim3A_88, %scan3A_178 = %broadcast_in_dim3A_88, %scan3A_179 = %broadcast_in_dim3A_88, %scan3A_180 = %broadcast_in_dim3A_88) -> (vector<16xf32>, vector<16xf32>, vector<16xf32>, vector<16xf32>, vector<16xf32>)  : i32 {
        %mul3A_181 = arith.constant 4 : i32
        %mul3A_182 = arith.muli %scan3A_175, %mul3A_181 : i32
        %add3A_183 = arith.constant 0 : i32
        %add3A_184 = arith.addi %mul3A_182, %add3A_183 : i32
        %add3A_185 = vector.broadcast %add3A_184 : i32 to vector<16xi32>
        %add3A_186 = arith.addi %iota3A, %add3A_185 : vector<16xi32>
        %and3A = arith.constant 63 : i32
        %and3A_187 = vector.broadcast %and3A : i32 to vector<16xi32>
        %and3A_188 = arith.andi %add3A_186, %and3A_187 : vector<16xi32>
        %gather3A = tpu.vector_load_idx %arg9[%add3A_5, %and3A_188] : memref<80x64xi32, #tpu.memory_space<vmem>>[vector<16xi32>, vector<16xi32>], vector<16xi32>,
        %bitcast3A = vector.bitcast %gather3A : vector<16xi32> to vector<32xbf16>
        %gather3A_189 = tpu.vector_load_idx %arg10[%add3A_5, %and3A_188] : memref<80x64xi32, #tpu.memory_space<vmem>>[vector<16xi32>, vector<16xi32>], vector<16xi32>,
        %bitcast3A_190 = vector.bitcast %gather3A_189 : vector<16xi32> to vector<32xbf16>
        %mul3A_191 = arith.mulf %bitcast3A, %bitcast3A_190 : vector<32xbf16>
        %gather3A_192 = tpu.vector_load_idx %arg9[%add3A_8, %and3A_188] : memref<80x64xi32, #tpu.memory_space<vmem>>[vector<16xi32>, vector<16xi32>], vector<16xi32>,
        %bitcast3A_193 = vector.bitcast %gather3A_192 : vector<16xi32> to vector<32xbf16>
        %gather3A_194 = tpu.vector_load_idx %arg10[%add3A_8, %and3A_188] : memref<80x64xi32, #tpu.memory_space<vmem>>[vector<16xi32>, vector<16xi32>], vector<16xi32>,
        %bitcast3A_195 = vector.bitcast %gather3A_194 : vector<16xi32> to vector<32xbf16>
        %mul3A_196 = arith.mulf %bitcast3A_193, %bitcast3A_195 : vector<32xbf16>
        %gather3A_197 = tpu.vector_load_idx %arg9[%add3A_11, %and3A_188] : memref<80x64xi32, #tpu.memory_space<vmem>>[vector<16xi32>, vector<16xi32>], vector<16xi32>,
        %bitcast3A_198 = vector.bitcast %gather3A_197 : vector<16xi32> to vector<32xbf16>
        %gather3A_199 = tpu.vector_load_idx %arg10[%add3A_11, %and3A_188] : memref<80x64xi32, #tpu.memory_space<vmem>>[vector<16xi32>, vector<16xi32>], vector<16xi32>,
        %bitcast3A_200 = vector.bitcast %gather3A_199 : vector<16xi32> to vector<32xbf16>
        %mul3A_201 = arith.mulf %bitcast3A_198, %bitcast3A_200 : vector<32xbf16>
        %gather3A_202 = tpu.vector_load_idx %arg9[%add3A_14, %and3A_188] : memref<80x64xi32, #tpu.memory_space<vmem>>[vector<16xi32>, vector<16xi32>], vector<16xi32>,
        %bitcast3A_203 = vector.bitcast %gather3A_202 : vector<16xi32> to vector<32xbf16>
        %gather3A_204 = tpu.vector_load_idx %arg10[%add3A_14, %and3A_188] : memref<80x64xi32, #tpu.memory_space<vmem>>[vector<16xi32>, vector<16xi32>], vector<16xi32>,
        %bitcast3A_205 = vector.bitcast %gather3A_204 : vector<16xi32> to vector<32xbf16>
        %mul3A_206 = arith.mulf %bitcast3A_203, %bitcast3A_205 : vector<32xbf16>
        %gather3A_207 = tpu.vector_load_idx %arg9[%add3A_17, %and3A_188] : memref<80x64xi32, #tpu.memory_space<vmem>>[vector<16xi32>, vector<16xi32>], vector<16xi32>,
        %bitcast3A_208 = vector.bitcast %gather3A_207 : vector<16xi32> to vector<32xbf16>
        %gather3A_209 = tpu.vector_load_idx %arg10[%add3A_17, %and3A_188] : memref<80x64xi32, #tpu.memory_space<vmem>>[vector<16xi32>, vector<16xi32>], vector<16xi32>,
        %bitcast3A_210 = vector.bitcast %gather3A_209 : vector<16xi32> to vector<32xbf16>
        %mul3A_211 = arith.mulf %bitcast3A_208, %bitcast3A_210 : vector<32xbf16>
        %mul3A_212 = arith.constant 4 : i32
        %mul3A_213 = arith.muli %scan3A_175, %mul3A_212 : i32
        %add3A_214 = arith.constant 1 : i32
        %add3A_215 = arith.addi %mul3A_213, %add3A_214 : i32
        %add3A_216 = vector.broadcast %add3A_215 : i32 to vector<16xi32>
        %add3A_217 = arith.addi %iota3A, %add3A_216 : vector<16xi32>
        %and3A_218 = arith.constant 63 : i32
        %and3A_219 = vector.broadcast %and3A_218 : i32 to vector<16xi32>
        %and3A_220 = arith.andi %add3A_217, %and3A_219 : vector<16xi32>
        %gather3A_221 = tpu.vector_load_idx %arg9[%add3A_5, %and3A_220] : memref<80x64xi32, #tpu.memory_space<vmem>>[vector<16xi32>, vector<16xi32>], vector<16xi32>,
        %bitcast3A_222 = vector.bitcast %gather3A_221 : vector<16xi32> to vector<32xbf16>
        %gather3A_223 = tpu.vector_load_idx %arg10[%add3A_5, %and3A_220] : memref<80x64xi32, #tpu.memory_space<vmem>>[vector<16xi32>, vector<16xi32>], vector<16xi32>,
        %bitcast3A_224 = vector.bitcast %gather3A_223 : vector<16xi32> to vector<32xbf16>
        %mul3A_225 = arith.mulf %bitcast3A_222, %bitcast3A_224 : vector<32xbf16>
        %add3A_226 = arith.addf %mul3A_191, %mul3A_225 : vector<32xbf16>
        %gather3A_227 = tpu.vector_load_idx %arg9[%add3A_8, %and3A_220] : memref<80x64xi32, #tpu.memory_space<vmem>>[vector<16xi32>, vector<16xi32>], vector<16xi32>,
        %bitcast3A_228 = vector.bitcast %gather3A_227 : vector<16xi32> to vector<32xbf16>
        %gather3A_229 = tpu.vector_load_idx %arg10[%add3A_8, %and3A_220] : memref<80x64xi32, #tpu.memory_space<vmem>>[vector<16xi32>, vector<16xi32>], vector<16xi32>,
        %bitcast3A_230 = vector.bitcast %gather3A_229 : vector<16xi32> to vector<32xbf16>
        %mul3A_231 = arith.mulf %bitcast3A_228, %bitcast3A_230 : vector<32xbf16>
        %add3A_232 = arith.addf %mul3A_196, %mul3A_231 : vector<32xbf16>
        %gather3A_233 = tpu.vector_load_idx %arg9[%add3A_11, %and3A_220] : memref<80x64xi32, #tpu.memory_space<vmem>>[vector<16xi32>, vector<16xi32>], vector<16xi32>,
        %bitcast3A_234 = vector.bitcast %gather3A_233 : vector<16xi32> to vector<32xbf16>
        %gather3A_235 = tpu.vector_load_idx %arg10[%add3A_11, %and3A_220] : memref<80x64xi32, #tpu.memory_space<vmem>>[vector<16xi32>, vector<16xi32>], vector<16xi32>,
        %bitcast3A_236 = vector.bitcast %gather3A_235 : vector<16xi32> to vector<32xbf16>
        %mul3A_237 = arith.mulf %bitcast3A_234, %bitcast3A_236 : vector<32xbf16>
        %add3A_238 = arith.addf %mul3A_201, %mul3A_237 : vector<32xbf16>
        %gather3A_239 = tpu.vector_load_idx %arg9[%add3A_14, %and3A_220] : memref<80x64xi32, #tpu.memory_space<vmem>>[vector<16xi32>, vector<16xi32>], vector<16xi32>,
        %bitcast3A_240 = vector.bitcast %gather3A_239 : vector<16xi32> to vector<32xbf16>
        %gather3A_241 = tpu.vector_load_idx %arg10[%add3A_14, %and3A_220] : memref<80x64xi32, #tpu.memory_space<vmem>>[vector<16xi32>, vector<16xi32>], vector<16xi32>,
        %bitcast3A_242 = vector.bitcast %gather3A_241 : vector<16xi32> to vector<32xbf16>
        %mul3A_243 = arith.mulf %bitcast3A_240, %bitcast3A_242 : vector<32xbf16>
        %add3A_244 = arith.addf %mul3A_206, %mul3A_243 : vector<32xbf16>
        %gather3A_245 = tpu.vector_load_idx %arg9[%add3A_17, %and3A_220] : memref<80x64xi32, #tpu.memory_space<vmem>>[vector<16xi32>, vector<16xi32>], vector<16xi32>,
        %bitcast3A_246 = vector.bitcast %gather3A_245 : vector<16xi32> to vector<32xbf16>
        %gather3A_247 = tpu.vector_load_idx %arg10[%add3A_17, %and3A_220] : memref<80x64xi32, #tpu.memory_space<vmem>>[vector<16xi32>, vector<16xi32>], vector<16xi32>,
        %bitcast3A_248 = vector.bitcast %gather3A_247 : vector<16xi32> to vector<32xbf16>
        %mul3A_249 = arith.mulf %bitcast3A_246, %bitcast3A_248 : vector<32xbf16>
        %add3A_250 = arith.addf %mul3A_211, %mul3A_249 : vector<32xbf16>
        %mul3A_251 = arith.constant 4 : i32
        %mul3A_252 = arith.muli %scan3A_175, %mul3A_251 : i32
        %add3A_253 = arith.constant 2 : i32
        %add3A_254 = arith.addi %mul3A_252, %add3A_253 : i32
        %add3A_255 = vector.broadcast %add3A_254 : i32 to vector<16xi32>
        %add3A_256 = arith.addi %iota3A, %add3A_255 : vector<16xi32>
        %and3A_257 = arith.constant 63 : i32
        %and3A_258 = vector.broadcast %and3A_257 : i32 to vector<16xi32>
        %and3A_259 = arith.andi %add3A_256, %and3A_258 : vector<16xi32>
        %gather3A_260 = tpu.vector_load_idx %arg9[%add3A_5, %and3A_259] : memref<80x64xi32, #tpu.memory_space<vmem>>[vector<16xi32>, vector<16xi32>], vector<16xi32>,
        %bitcast3A_261 = vector.bitcast %gather3A_260 : vector<16xi32> to vector<32xbf16>
        %gather3A_262 = tpu.vector_load_idx %arg10[%add3A_5, %and3A_259] : memref<80x64xi32, #tpu.memory_space<vmem>>[vector<16xi32>, vector<16xi32>], vector<16xi32>,
        %bitcast3A_263 = vector.bitcast %gather3A_262 : vector<16xi32> to vector<32xbf16>
        %mul3A_264 = arith.mulf %bitcast3A_261, %bitcast3A_263 : vector<32xbf16>
        %add3A_265 = arith.addf %add3A_226, %mul3A_264 : vector<32xbf16>
        %gather3A_266 = tpu.vector_load_idx %arg9[%add3A_8, %and3A_259] : memref<80x64xi32, #tpu.memory_space<vmem>>[vector<16xi32>, vector<16xi32>], vector<16xi32>,
        %bitcast3A_267 = vector.bitcast %gather3A_266 : vector<16xi32> to vector<32xbf16>
        %gather3A_268 = tpu.vector_load_idx %arg10[%add3A_8, %and3A_259] : memref<80x64xi32, #tpu.memory_space<vmem>>[vector<16xi32>, vector<16xi32>], vector<16xi32>,
        %bitcast3A_269 = vector.bitcast %gather3A_268 : vector<16xi32> to vector<32xbf16>
        %mul3A_270 = arith.mulf %bitcast3A_267, %bitcast3A_269 : vector<32xbf16>
        %add3A_271 = arith.addf %add3A_232, %mul3A_270 : vector<32xbf16>
        %gather3A_272 = tpu.vector_load_idx %arg9[%add3A_11, %and3A_259] : memref<80x64xi32, #tpu.memory_space<vmem>>[vector<16xi32>, vector<16xi32>], vector<16xi32>,
        %bitcast3A_273 = vector.bitcast %gather3A_272 : vector<16xi32> to vector<32xbf16>
        %gather3A_274 = tpu.vector_load_idx %arg10[%add3A_11, %and3A_259] : memref<80x64xi32, #tpu.memory_space<vmem>>[vector<16xi32>, vector<16xi32>], vector<16xi32>,
        %bitcast3A_275 = vector.bitcast %gather3A_274 : vector<16xi32> to vector<32xbf16>
        %mul3A_276 = arith.mulf %bitcast3A_273, %bitcast3A_275 : vector<32xbf16>
        %add3A_277 = arith.addf %add3A_238, %mul3A_276 : vector<32xbf16>
        %gather3A_278 = tpu.vector_load_idx %arg9[%add3A_14, %and3A_259] : memref<80x64xi32, #tpu.memory_space<vmem>>[vector<16xi32>, vector<16xi32>], vector<16xi32>,
        %bitcast3A_279 = vector.bitcast %gather3A_278 : vector<16xi32> to vector<32xbf16>
        %gather3A_280 = tpu.vector_load_idx %arg10[%add3A_14, %and3A_259] : memref<80x64xi32, #tpu.memory_space<vmem>>[vector<16xi32>, vector<16xi32>], vector<16xi32>,
        %bitcast3A_281 = vector.bitcast %gather3A_280 : vector<16xi32> to vector<32xbf16>
        %mul3A_282 = arith.mulf %bitcast3A_279, %bitcast3A_281 : vector<32xbf16>
        %add3A_283 = arith.addf %add3A_244, %mul3A_282 : vector<32xbf16>
        %gather3A_284 = tpu.vector_load_idx %arg9[%add3A_17, %and3A_259] : memref<80x64xi32, #tpu.memory_space<vmem>>[vector<16xi32>, vector<16xi32>], vector<16xi32>,
        %bitcast3A_285 = vector.bitcast %gather3A_284 : vector<16xi32> to vector<32xbf16>
        %gather3A_286 = tpu.vector_load_idx %arg10[%add3A_17, %and3A_259] : memref<80x64xi32, #tpu.memory_space<vmem>>[vector<16xi32>, vector<16xi32>], vector<16xi32>,
        %bitcast3A_287 = vector.bitcast %gather3A_286 : vector<16xi32> to vector<32xbf16>
        %mul3A_288 = arith.mulf %bitcast3A_285, %bitcast3A_287 : vector<32xbf16>
        %add3A_289 = arith.addf %add3A_250, %mul3A_288 : vector<32xbf16>
        %mul3A_290 = arith.constant 4 : i32
        %mul3A_291 = arith.muli %scan3A_175, %mul3A_290 : i32
        %add3A_292 = arith.constant 3 : i32
        %add3A_293 = arith.addi %mul3A_291, %add3A_292 : i32
        %add3A_294 = vector.broadcast %add3A_293 : i32 to vector<16xi32>
        %add3A_295 = arith.addi %iota3A, %add3A_294 : vector<16xi32>
        %and3A_296 = arith.constant 63 : i32
        %and3A_297 = vector.broadcast %and3A_296 : i32 to vector<16xi32>
        %and3A_298 = arith.andi %add3A_295, %and3A_297 : vector<16xi32>
        %gather3A_299 = tpu.vector_load_idx %arg9[%add3A_5, %and3A_298] : memref<80x64xi32, #tpu.memory_space<vmem>>[vector<16xi32>, vector<16xi32>], vector<16xi32>,
        %bitcast3A_300 = vector.bitcast %gather3A_299 : vector<16xi32> to vector<32xbf16>
        %gather3A_301 = tpu.vector_load_idx %arg10[%add3A_5, %and3A_298] : memref<80x64xi32, #tpu.memory_space<vmem>>[vector<16xi32>, vector<16xi32>], vector<16xi32>,
        %bitcast3A_302 = vector.bitcast %gather3A_301 : vector<16xi32> to vector<32xbf16>
        %mul3A_303 = arith.mulf %bitcast3A_300, %bitcast3A_302 : vector<32xbf16>
        %add3A_304 = arith.addf %add3A_265, %mul3A_303 : vector<32xbf16>
        %gather3A_305 = tpu.vector_load_idx %arg9[%add3A_8, %and3A_298] : memref<80x64xi32, #tpu.memory_space<vmem>>[vector<16xi32>, vector<16xi32>], vector<16xi32>,
        %bitcast3A_306 = vector.bitcast %gather3A_305 : vector<16xi32> to vector<32xbf16>
        %gather3A_307 = tpu.vector_load_idx %arg10[%add3A_8, %and3A_298] : memref<80x64xi32, #tpu.memory_space<vmem>>[vector<16xi32>, vector<16xi32>], vector<16xi32>,
        %bitcast3A_308 = vector.bitcast %gather3A_307 : vector<16xi32> to vector<32xbf16>
        %mul3A_309 = arith.mulf %bitcast3A_306, %bitcast3A_308 : vector<32xbf16>
        %add3A_310 = arith.addf %add3A_271, %mul3A_309 : vector<32xbf16>
        %gather3A_311 = tpu.vector_load_idx %arg9[%add3A_11, %and3A_298] : memref<80x64xi32, #tpu.memory_space<vmem>>[vector<16xi32>, vector<16xi32>], vector<16xi32>,
        %bitcast3A_312 = vector.bitcast %gather3A_311 : vector<16xi32> to vector<32xbf16>
        %gather3A_313 = tpu.vector_load_idx %arg10[%add3A_11, %and3A_298] : memref<80x64xi32, #tpu.memory_space<vmem>>[vector<16xi32>, vector<16xi32>], vector<16xi32>,
        %bitcast3A_314 = vector.bitcast %gather3A_313 : vector<16xi32> to vector<32xbf16>
        %mul3A_315 = arith.mulf %bitcast3A_312, %bitcast3A_314 : vector<32xbf16>
        %add3A_316 = arith.addf %add3A_277, %mul3A_315 : vector<32xbf16>
        %gather3A_317 = tpu.vector_load_idx %arg9[%add3A_14, %and3A_298] : memref<80x64xi32, #tpu.memory_space<vmem>>[vector<16xi32>, vector<16xi32>], vector<16xi32>,
        %bitcast3A_318 = vector.bitcast %gather3A_317 : vector<16xi32> to vector<32xbf16>
        %gather3A_319 = tpu.vector_load_idx %arg10[%add3A_14, %and3A_298] : memref<80x64xi32, #tpu.memory_space<vmem>>[vector<16xi32>, vector<16xi32>], vector<16xi32>,
        %bitcast3A_320 = vector.bitcast %gather3A_319 : vector<16xi32> to vector<32xbf16>
        %mul3A_321 = arith.mulf %bitcast3A_318, %bitcast3A_320 : vector<32xbf16>
        %add3A_322 = arith.addf %add3A_283, %mul3A_321 : vector<32xbf16>
        %gather3A_323 = tpu.vector_load_idx %arg9[%add3A_17, %and3A_298] : memref<80x64xi32, #tpu.memory_space<vmem>>[vector<16xi32>, vector<16xi32>], vector<16xi32>,
        %bitcast3A_324 = vector.bitcast %gather3A_323 : vector<16xi32> to vector<32xbf16>
        %gather3A_325 = tpu.vector_load_idx %arg10[%add3A_17, %and3A_298] : memref<80x64xi32, #tpu.memory_space<vmem>>[vector<16xi32>, vector<16xi32>], vector<16xi32>,
        %bitcast3A_326 = vector.bitcast %gather3A_325 : vector<16xi32> to vector<32xbf16>
        %mul3A_327 = arith.mulf %bitcast3A_324, %bitcast3A_326 : vector<32xbf16>
        %add3A_328 = arith.addf %add3A_289, %mul3A_327 : vector<32xbf16>
        %unpack3A = tpu.unpack_subelements %add3A_304, 0 {pack_format = #tpu.pack_format<interleaved>} : vector<32xbf16> -> vector<16xf32>
        %unpack3A_329 = tpu.unpack_subelements %add3A_304, 1 {pack_format = #tpu.pack_format<interleaved>} : vector<32xbf16> -> vector<16xf32>
        %add3A_330 = arith.addf %unpack3A, %unpack3A_329 : vector<16xf32>
        %add3A_331 = arith.addf %scan3A_176, %add3A_330 : vector<16xf32>
        %unpack3A_332 = tpu.unpack_subelements %add3A_310, 0 {pack_format = #tpu.pack_format<interleaved>} : vector<32xbf16> -> vector<16xf32>
        %unpack3A_333 = tpu.unpack_subelements %add3A_310, 1 {pack_format = #tpu.pack_format<interleaved>} : vector<32xbf16> -> vector<16xf32>
        %add3A_334 = arith.addf %unpack3A_332, %unpack3A_333 : vector<16xf32>
        %add3A_335 = arith.addf %scan3A_177, %add3A_334 : vector<16xf32>
        %unpack3A_336 = tpu.unpack_subelements %add3A_316, 0 {pack_format = #tpu.pack_format<interleaved>} : vector<32xbf16> -> vector<16xf32>
        %unpack3A_337 = tpu.unpack_subelements %add3A_316, 1 {pack_format = #tpu.pack_format<interleaved>} : vector<32xbf16> -> vector<16xf32>
        %add3A_338 = arith.addf %unpack3A_336, %unpack3A_337 : vector<16xf32>
        %add3A_339 = arith.addf %scan3A_178, %add3A_338 : vector<16xf32>
        %unpack3A_340 = tpu.unpack_subelements %add3A_322, 0 {pack_format = #tpu.pack_format<interleaved>} : vector<32xbf16> -> vector<16xf32>
        %unpack3A_341 = tpu.unpack_subelements %add3A_322, 1 {pack_format = #tpu.pack_format<interleaved>} : vector<32xbf16> -> vector<16xf32>
        %add3A_342 = arith.addf %unpack3A_340, %unpack3A_341 : vector<16xf32>
        %add3A_343 = arith.addf %scan3A_179, %add3A_342 : vector<16xf32>
        %unpack3A_344 = tpu.unpack_subelements %add3A_328, 0 {pack_format = #tpu.pack_format<interleaved>} : vector<32xbf16> -> vector<16xf32>
        %unpack3A_345 = tpu.unpack_subelements %add3A_328, 1 {pack_format = #tpu.pack_format<interleaved>} : vector<32xbf16> -> vector<16xf32>
        %add3A_346 = arith.addf %unpack3A_344, %unpack3A_345 : vector<16xf32>
        %add3A_347 = arith.addf %scan3A_180, %add3A_346 : vector<16xf32>
        scf.yield %add3A_331, %add3A_335, %add3A_339, %add3A_343, %add3A_347 : vector<16xf32>, vector<16xf32>, vector<16xf32>, vector<16xf32>, vector<16xf32>
      }
      %scan3A_94 = arith.constant 16 : i32
      %add3A_95 = arith.constant 0 : i32
      %add3A_96 = arith.addi %mul3A_86, %add3A_95 : i32
      %swap3A_97 = arith.index_cast %add3A_96 : i32 to index
      %swap3A_98 = tpu.vector_load %arg13[%swap3A_97] {strides = array<i32>} : memref<10000xf32, #tpu.memory_space<vmem>>, vector<16xf32>,
      tpu.vector_store %arg13[%swap3A_97], %scan3A_93#0 {strides = array<i32>} : memref<10000xf32, #tpu.memory_space<vmem>>, vector<16xf32>,
      %add3A_99 = arith.constant 16 : i32
      %add3A_100 = arith.addi %mul3A_86, %add3A_99 : i32
      %swap3A_101 = arith.index_cast %add3A_100 : i32 to index
      %swap3A_102 = tpu.vector_load %arg13[%swap3A_101] {strides = array<i32>} : memref<10000xf32, #tpu.memory_space<vmem>>, vector<16xf32>,
      tpu.vector_store %arg13[%swap3A_101], %scan3A_93#1 {strides = array<i32>} : memref<10000xf32, #tpu.memory_space<vmem>>, vector<16xf32>,
      %add3A_103 = arith.constant 32 : i32
      %add3A_104 = arith.addi %mul3A_86, %add3A_103 : i32
      %swap3A_105 = arith.index_cast %add3A_104 : i32 to index
      %swap3A_106 = tpu.vector_load %arg13[%swap3A_105] {strides = array<i32>} : memref<10000xf32, #tpu.memory_space<vmem>>, vector<16xf32>,
      tpu.vector_store %arg13[%swap3A_105], %scan3A_93#2 {strides = array<i32>} : memref<10000xf32, #tpu.memory_space<vmem>>, vector<16xf32>,
      %add3A_107 = arith.constant 48 : i32
      %add3A_108 = arith.addi %mul3A_86, %add3A_107 : i32
      %swap3A_109 = arith.index_cast %add3A_108 : i32 to index
      %swap3A_110 = tpu.vector_load %arg13[%swap3A_109] {strides = array<i32>} : memref<10000xf32, #tpu.memory_space<vmem>>, vector<16xf32>,
      tpu.vector_store %arg13[%swap3A_109], %scan3A_93#3 {strides = array<i32>} : memref<10000xf32, #tpu.memory_space<vmem>>, vector<16xf32>,
      %add3A_111 = arith.constant 64 : i32
      %add3A_112 = arith.addi %mul3A_86, %add3A_111 : i32
      %swap3A_113 = arith.index_cast %add3A_112 : i32 to index
      %swap3A_114 = tpu.vector_load %arg13[%swap3A_113] {strides = array<i32>} : memref<10000xf32, #tpu.memory_space<vmem>>, vector<16xf32>,
      tpu.vector_store %arg13[%swap3A_113], %scan3A_93#4 {strides = array<i32>} : memref<10000xf32, #tpu.memory_space<vmem>>, vector<16xf32>,
      %add3A_115 = arith.constant 2 : i32
      %add3A_116 = arith.addi %mul3A_58, %add3A_115 : i32
      %mul3A_117 = arith.constant 80 : i32
      %mul3A_118 = arith.muli %add3A_116, %mul3A_117 : i32
      %dma_start3A_119 = tpu.memref_slice %arg7[%mul3A_118] : memref<10000xi32, #tpu.memory_space<vmem>> -> memref<80xi32, #tpu.memory_space<vmem>>
      %dma_start3A_120 = arith.constant 0 : i32
      %dma_start3A_121 = arith.constant 0 : i32
      %dma_start3A_122 = tpu.memref_slice %arg2[%dma_start3A_120, %dma_start3A_121] : memref<10000x64xi32, #tpu.memory_space<hbm>> -> memref<10000x64xi32, #tpu.memory_space<hbm>>
      tpu.enqueue_indirect_dma source(%dma_start3A_122 : memref<10000x64xi32, #tpu.memory_space<hbm>>) target(%arg9 : memref<80x64xi32, #tpu.memory_space<vmem>>) offsets(%dma_start3A_119 : memref<80xi32, #tpu.memory_space<vmem>>) semaphore(%arg14 : memref<!tpu.dma_semaphore, #tpu.memory_space<semaphore_mem>>)
      %mul3A_123 = arith.constant 80 : i32
      %mul3A_124 = arith.muli %add3A_116, %mul3A_123 : i32
      %dma_start3A_125 = tpu.memref_slice %arg8[%mul3A_124] : memref<10000xi32, #tpu.memory_space<vmem>> -> memref<80xi32, #tpu.memory_space<vmem>>
      %dma_start3A_126 = arith.constant 0 : i32
      %dma_start3A_127 = arith.constant 0 : i32
      %dma_start3A_128 = tpu.memref_slice %arg3[%dma_start3A_126, %dma_start3A_127] : memref<10000x64xi32, #tpu.memory_space<hbm>> -> memref<10000x64xi32, #tpu.memory_space<hbm>>
      tpu.enqueue_indirect_dma source(%dma_start3A_128 : memref<10000x64xi32, #tpu.memory_space<hbm>>) target(%arg10 : memref<80x64xi32, #tpu.memory_space<vmem>>) offsets(%dma_start3A_125 : memref<80xi32, #tpu.memory_space<vmem>>) semaphore(%arg15 : memref<!tpu.dma_semaphore, #tpu.memory_space<semaphore_mem>>)
      %add3A_129 = arith.constant 1 : i32
      %add3A_130 = arith.addi %mul3A_58, %add3A_129 : i32
      %mul3A_131 = arith.constant 80 : i32
      %mul3A_132 = arith.muli %add3A_130, %mul3A_131 : i32
      %dma_wait3A_133 = tpu.memref_slice %arg7[%mul3A_132] : memref<10000xi32, #tpu.memory_space<vmem>> -> memref<80xi32, #tpu.memory_space<vmem>>
      %dma_wait3A_134 = arith.constant 0 : i32
      %dma_wait3A_135 = arith.constant 0 : i32
      %dma_wait3A_136 = tpu.memref_slice %arg2[%dma_wait3A_134, %dma_wait3A_135] : memref<10000x64xi32, #tpu.memory_space<hbm>> -> memref<10000x64xi32, #tpu.memory_space<hbm>>
      tpu.wait_indirect_dma semaphore(%arg16 : memref<!tpu.dma_semaphore, #tpu.memory_space<semaphore_mem>>) src(%dma_wait3A_136 : memref<10000x64xi32, #tpu.memory_space<hbm>>) dst(%arg11 : memref<80x64xi32, #tpu.memory_space<vmem>>)
      %mul3A_137 = arith.constant 80 : i32
      %mul3A_138 = arith.muli %add3A_130, %mul3A_137 : i32
      %dma_wait3A_139 = tpu.memref_slice %arg8[%mul3A_138] : memref<10000xi32, #tpu.memory_space<vmem>> -> memref<80xi32, #tpu.memory_space<vmem>>
      %dma_wait3A_140 = arith.constant 0 : i32
      %dma_wait3A_141 = arith.constant 0 : i32
      %dma_wait3A_142 = tpu.memref_slice %arg3[%dma_wait3A_140, %dma_wait3A_141] : memref<10000x64xi32, #tpu.memory_space<hbm>> -> memref<10000x64xi32, #tpu.memory_space<hbm>>
      tpu.wait_indirect_dma semaphore(%arg17 : memref<!tpu.dma_semaphore, #tpu.memory_space<semaphore_mem>>) src(%dma_wait3A_142 : memref<10000x64xi32, #tpu.memory_space<hbm>>) dst(%arg12 : memref<80x64xi32, #tpu.memory_space<vmem>>)
      %add3A_143 = arith.constant 1 : i32
      %add3A_144 = arith.addi %mul3A_58, %add3A_143 : i32
      %mul3A_145 = arith.constant 80 : i32
      %mul3A_146 = arith.muli %add3A_144, %mul3A_145 : i32
      %broadcast_in_dim3A_147 = arith.constant 0.000000e+00 : f32
      %broadcast_in_dim3A_148 = vector.broadcast %broadcast_in_dim3A_147 : f32 to vector<16xf32>
      %scan3A_149 = arith.constant 0 : i32
      %scan3A_150 = arith.constant 16 : i32
      %scan3A_151 = arith.addi %scan3A_149, %scan3A_150 : i32
      %scan3A_152 = arith.constant 1 : i32
      %scan3A_153:5 = scf.for %scan3A_175 = %scan3A_149 to %scan3A_151 step %scan3A_152 iter_args(%scan3A_176 = %broadcast_in_dim3A_148, %scan3A_177 = %broadcast_in_dim3A_148, %scan3A_178 = %broadcast_in_dim3A_148, %scan3A_179 = %broadcast_in_dim3A_148, %scan3A_180 = %broadcast_in_dim3A_148) -> (vector<16xf32>, vector<16xf32>, vector<16xf32>, vector<16xf32>, vector<16xf32>)  : i32 {
        %mul3A_181 = arith.constant 4 : i32
        %mul3A_182 = arith.muli %scan3A_175, %mul3A_181 : i32
        %add3A_183 = arith.constant 0 : i32
        %add3A_184 = arith.addi %mul3A_182, %add3A_183 : i32
        %add3A_185 = vector.broadcast %add3A_184 : i32 to vector<16xi32>
        %add3A_186 = arith.addi %iota3A, %add3A_185 : vector<16xi32>
        %and3A = arith.constant 63 : i32
        %and3A_187 = vector.broadcast %and3A : i32 to vector<16xi32>
        %and3A_188 = arith.andi %add3A_186, %and3A_187 : vector<16xi32>
        %gather3A = tpu.vector_load_idx %arg11[%add3A_5, %and3A_188] : memref<80x64xi32, #tpu.memory_space<vmem>>[vector<16xi32>, vector<16xi32>], vector<16xi32>,
        %bitcast3A = vector.bitcast %gather3A : vector<16xi32> to vector<32xbf16>
        %gather3A_189 = tpu.vector_load_idx %arg12[%add3A_5, %and3A_188] : memref<80x64xi32, #tpu.memory_space<vmem>>[vector<16xi32>, vector<16xi32>], vector<16xi32>,
        %bitcast3A_190 = vector.bitcast %gather3A_189 : vector<16xi32> to vector<32xbf16>
        %mul3A_191 = arith.mulf %bitcast3A, %bitcast3A_190 : vector<32xbf16>
        %gather3A_192 = tpu.vector_load_idx %arg11[%add3A_8, %and3A_188] : memref<80x64xi32, #tpu.memory_space<vmem>>[vector<16xi32>, vector<16xi32>], vector<16xi32>,
        %bitcast3A_193 = vector.bitcast %gather3A_192 : vector<16xi32> to vector<32xbf16>
        %gather3A_194 = tpu.vector_load_idx %arg12[%add3A_8, %and3A_188] : memref<80x64xi32, #tpu.memory_space<vmem>>[vector<16xi32>, vector<16xi32>], vector<16xi32>,
        %bitcast3A_195 = vector.bitcast %gather3A_194 : vector<16xi32> to vector<32xbf16>
        %mul3A_196 = arith.mulf %bitcast3A_193, %bitcast3A_195 : vector<32xbf16>
        %gather3A_197 = tpu.vector_load_idx %arg11[%add3A_11, %and3A_188] : memref<80x64xi32, #tpu.memory_space<vmem>>[vector<16xi32>, vector<16xi32>], vector<16xi32>,
        %bitcast3A_198 = vector.bitcast %gather3A_197 : vector<16xi32> to vector<32xbf16>
        %gather3A_199 = tpu.vector_load_idx %arg12[%add3A_11, %and3A_188] : memref<80x64xi32, #tpu.memory_space<vmem>>[vector<16xi32>, vector<16xi32>], vector<16xi32>,
        %bitcast3A_200 = vector.bitcast %gather3A_199 : vector<16xi32> to vector<32xbf16>
        %mul3A_201 = arith.mulf %bitcast3A_198, %bitcast3A_200 : vector<32xbf16>
        %gather3A_202 = tpu.vector_load_idx %arg11[%add3A_14, %and3A_188] : memref<80x64xi32, #tpu.memory_space<vmem>>[vector<16xi32>, vector<16xi32>], vector<16xi32>,
        %bitcast3A_203 = vector.bitcast %gather3A_202 : vector<16xi32> to vector<32xbf16>
        %gather3A_204 = tpu.vector_load_idx %arg12[%add3A_14, %and3A_188] : memref<80x64xi32, #tpu.memory_space<vmem>>[vector<16xi32>, vector<16xi32>], vector<16xi32>,
        %bitcast3A_205 = vector.bitcast %gather3A_204 : vector<16xi32> to vector<32xbf16>
        %mul3A_206 = arith.mulf %bitcast3A_203, %bitcast3A_205 : vector<32xbf16>
        %gather3A_207 = tpu.vector_load_idx %arg11[%add3A_17, %and3A_188] : memref<80x64xi32, #tpu.memory_space<vmem>>[vector<16xi32>, vector<16xi32>], vector<16xi32>,
        %bitcast3A_208 = vector.bitcast %gather3A_207 : vector<16xi32> to vector<32xbf16>
        %gather3A_209 = tpu.vector_load_idx %arg12[%add3A_17, %and3A_188] : memref<80x64xi32, #tpu.memory_space<vmem>>[vector<16xi32>, vector<16xi32>], vector<16xi32>,
        %bitcast3A_210 = vector.bitcast %gather3A_209 : vector<16xi32> to vector<32xbf16>
        %mul3A_211 = arith.mulf %bitcast3A_208, %bitcast3A_210 : vector<32xbf16>
        %mul3A_212 = arith.constant 4 : i32
        %mul3A_213 = arith.muli %scan3A_175, %mul3A_212 : i32
        %add3A_214 = arith.constant 1 : i32
        %add3A_215 = arith.addi %mul3A_213, %add3A_214 : i32
        %add3A_216 = vector.broadcast %add3A_215 : i32 to vector<16xi32>
        %add3A_217 = arith.addi %iota3A, %add3A_216 : vector<16xi32>
        %and3A_218 = arith.constant 63 : i32
        %and3A_219 = vector.broadcast %and3A_218 : i32 to vector<16xi32>
        %and3A_220 = arith.andi %add3A_217, %and3A_219 : vector<16xi32>
        %gather3A_221 = tpu.vector_load_idx %arg11[%add3A_5, %and3A_220] : memref<80x64xi32, #tpu.memory_space<vmem>>[vector<16xi32>, vector<16xi32>], vector<16xi32>,
        %bitcast3A_222 = vector.bitcast %gather3A_221 : vector<16xi32> to vector<32xbf16>
        %gather3A_223 = tpu.vector_load_idx %arg12[%add3A_5, %and3A_220] : memref<80x64xi32, #tpu.memory_space<vmem>>[vector<16xi32>, vector<16xi32>], vector<16xi32>,
        %bitcast3A_224 = vector.bitcast %gather3A_223 : vector<16xi32> to vector<32xbf16>
        %mul3A_225 = arith.mulf %bitcast3A_222, %bitcast3A_224 : vector<32xbf16>
        %add3A_226 = arith.addf %mul3A_191, %mul3A_225 : vector<32xbf16>
        %gather3A_227 = tpu.vector_load_idx %arg11[%add3A_8, %and3A_220] : memref<80x64xi32, #tpu.memory_space<vmem>>[vector<16xi32>, vector<16xi32>], vector<16xi32>,
        %bitcast3A_228 = vector.bitcast %gather3A_227 : vector<16xi32> to vector<32xbf16>
        %gather3A_229 = tpu.vector_load_idx %arg12[%add3A_8, %and3A_220] : memref<80x64xi32, #tpu.memory_space<vmem>>[vector<16xi32>, vector<16xi32>], vector<16xi32>,
        %bitcast3A_230 = vector.bitcast %gather3A_229 : vector<16xi32> to vector<32xbf16>
        %mul3A_231 = arith.mulf %bitcast3A_228, %bitcast3A_230 : vector<32xbf16>
        %add3A_232 = arith.addf %mul3A_196, %mul3A_231 : vector<32xbf16>
        %gather3A_233 = tpu.vector_load_idx %arg11[%add3A_11, %and3A_220] : memref<80x64xi32, #tpu.memory_space<vmem>>[vector<16xi32>, vector<16xi32>], vector<16xi32>,
        %bitcast3A_234 = vector.bitcast %gather3A_233 : vector<16xi32> to vector<32xbf16>
        %gather3A_235 = tpu.vector_load_idx %arg12[%add3A_11, %and3A_220] : memref<80x64xi32, #tpu.memory_space<vmem>>[vector<16xi32>, vector<16xi32>], vector<16xi32>,
        %bitcast3A_236 = vector.bitcast %gather3A_235 : vector<16xi32> to vector<32xbf16>
        %mul3A_237 = arith.mulf %bitcast3A_234, %bitcast3A_236 : vector<32xbf16>
        %add3A_238 = arith.addf %mul3A_201, %mul3A_237 : vector<32xbf16>
        %gather3A_239 = tpu.vector_load_idx %arg11[%add3A_14, %and3A_220] : memref<80x64xi32, #tpu.memory_space<vmem>>[vector<16xi32>, vector<16xi32>], vector<16xi32>,
        %bitcast3A_240 = vector.bitcast %gather3A_239 : vector<16xi32> to vector<32xbf16>
        %gather3A_241 = tpu.vector_load_idx %arg12[%add3A_14, %and3A_220] : memref<80x64xi32, #tpu.memory_space<vmem>>[vector<16xi32>, vector<16xi32>], vector<16xi32>,
        %bitcast3A_242 = vector.bitcast %gather3A_241 : vector<16xi32> to vector<32xbf16>
        %mul3A_243 = arith.mulf %bitcast3A_240, %bitcast3A_242 : vector<32xbf16>
        %add3A_244 = arith.addf %mul3A_206, %mul3A_243 : vector<32xbf16>
        %gather3A_245 = tpu.vector_load_idx %arg11[%add3A_17, %and3A_220] : memref<80x64xi32, #tpu.memory_space<vmem>>[vector<16xi32>, vector<16xi32>], vector<16xi32>,
        %bitcast3A_246 = vector.bitcast %gather3A_245 : vector<16xi32> to vector<32xbf16>
        %gather3A_247 = tpu.vector_load_idx %arg12[%add3A_17, %and3A_220] : memref<80x64xi32, #tpu.memory_space<vmem>>[vector<16xi32>, vector<16xi32>], vector<16xi32>,
        %bitcast3A_248 = vector.bitcast %gather3A_247 : vector<16xi32> to vector<32xbf16>
        %mul3A_249 = arith.mulf %bitcast3A_246, %bitcast3A_248 : vector<32xbf16>
        %add3A_250 = arith.addf %mul3A_211, %mul3A_249 : vector<32xbf16>
        %mul3A_251 = arith.constant 4 : i32
        %mul3A_252 = arith.muli %scan3A_175, %mul3A_251 : i32
        %add3A_253 = arith.constant 2 : i32
        %add3A_254 = arith.addi %mul3A_252, %add3A_253 : i32
        %add3A_255 = vector.broadcast %add3A_254 : i32 to vector<16xi32>
        %add3A_256 = arith.addi %iota3A, %add3A_255 : vector<16xi32>
        %and3A_257 = arith.constant 63 : i32
        %and3A_258 = vector.broadcast %and3A_257 : i32 to vector<16xi32>
        %and3A_259 = arith.andi %add3A_256, %and3A_258 : vector<16xi32>
        %gather3A_260 = tpu.vector_load_idx %arg11[%add3A_5, %and3A_259] : memref<80x64xi32, #tpu.memory_space<vmem>>[vector<16xi32>, vector<16xi32>], vector<16xi32>,
        %bitcast3A_261 = vector.bitcast %gather3A_260 : vector<16xi32> to vector<32xbf16>
        %gather3A_262 = tpu.vector_load_idx %arg12[%add3A_5, %and3A_259] : memref<80x64xi32, #tpu.memory_space<vmem>>[vector<16xi32>, vector<16xi32>], vector<16xi32>,
        %bitcast3A_263 = vector.bitcast %gather3A_262 : vector<16xi32> to vector<32xbf16>
        %mul3A_264 = arith.mulf %bitcast3A_261, %bitcast3A_263 : vector<32xbf16>
        %add3A_265 = arith.addf %add3A_226, %mul3A_264 : vector<32xbf16>
        %gather3A_266 = tpu.vector_load_idx %arg11[%add3A_8, %and3A_259] : memref<80x64xi32, #tpu.memory_space<vmem>>[vector<16xi32>, vector<16xi32>], vector<16xi32>,
        %bitcast3A_267 = vector.bitcast %gather3A_266 : vector<16xi32> to vector<32xbf16>
        %gather3A_268 = tpu.vector_load_idx %arg12[%add3A_8, %and3A_259] : memref<80x64xi32, #tpu.memory_space<vmem>>[vector<16xi32>, vector<16xi32>], vector<16xi32>,
        %bitcast3A_269 = vector.bitcast %gather3A_268 : vector<16xi32> to vector<32xbf16>
        %mul3A_270 = arith.mulf %bitcast3A_267, %bitcast3A_269 : vector<32xbf16>
        %add3A_271 = arith.addf %add3A_232, %mul3A_270 : vector<32xbf16>
        %gather3A_272 = tpu.vector_load_idx %arg11[%add3A_11, %and3A_259] : memref<80x64xi32, #tpu.memory_space<vmem>>[vector<16xi32>, vector<16xi32>], vector<16xi32>,
        %bitcast3A_273 = vector.bitcast %gather3A_272 : vector<16xi32> to vector<32xbf16>
        %gather3A_274 = tpu.vector_load_idx %arg12[%add3A_11, %and3A_259] : memref<80x64xi32, #tpu.memory_space<vmem>>[vector<16xi32>, vector<16xi32>], vector<16xi32>,
        %bitcast3A_275 = vector.bitcast %gather3A_274 : vector<16xi32> to vector<32xbf16>
        %mul3A_276 = arith.mulf %bitcast3A_273, %bitcast3A_275 : vector<32xbf16>
        %add3A_277 = arith.addf %add3A_238, %mul3A_276 : vector<32xbf16>
        %gather3A_278 = tpu.vector_load_idx %arg11[%add3A_14, %and3A_259] : memref<80x64xi32, #tpu.memory_space<vmem>>[vector<16xi32>, vector<16xi32>], vector<16xi32>,
        %bitcast3A_279 = vector.bitcast %gather3A_278 : vector<16xi32> to vector<32xbf16>
        %gather3A_280 = tpu.vector_load_idx %arg12[%add3A_14, %and3A_259] : memref<80x64xi32, #tpu.memory_space<vmem>>[vector<16xi32>, vector<16xi32>], vector<16xi32>,
        %bitcast3A_281 = vector.bitcast %gather3A_280 : vector<16xi32> to vector<32xbf16>
        %mul3A_282 = arith.mulf %bitcast3A_279, %bitcast3A_281 : vector<32xbf16>
        %add3A_283 = arith.addf %add3A_244, %mul3A_282 : vector<32xbf16>
        %gather3A_284 = tpu.vector_load_idx %arg11[%add3A_17, %and3A_259] : memref<80x64xi32, #tpu.memory_space<vmem>>[vector<16xi32>, vector<16xi32>], vector<16xi32>,
        %bitcast3A_285 = vector.bitcast %gather3A_284 : vector<16xi32> to vector<32xbf16>
        %gather3A_286 = tpu.vector_load_idx %arg12[%add3A_17, %and3A_259] : memref<80x64xi32, #tpu.memory_space<vmem>>[vector<16xi32>, vector<16xi32>], vector<16xi32>,
        %bitcast3A_287 = vector.bitcast %gather3A_286 : vector<16xi32> to vector<32xbf16>
        %mul3A_288 = arith.mulf %bitcast3A_285, %bitcast3A_287 : vector<32xbf16>
        %add3A_289 = arith.addf %add3A_250, %mul3A_288 : vector<32xbf16>
        %mul3A_290 = arith.constant 4 : i32
        %mul3A_291 = arith.muli %scan3A_175, %mul3A_290 : i32
        %add3A_292 = arith.constant 3 : i32
        %add3A_293 = arith.addi %mul3A_291, %add3A_292 : i32
        %add3A_294 = vector.broadcast %add3A_293 : i32 to vector<16xi32>
        %add3A_295 = arith.addi %iota3A, %add3A_294 : vector<16xi32>
        %and3A_296 = arith.constant 63 : i32
        %and3A_297 = vector.broadcast %and3A_296 : i32 to vector<16xi32>
        %and3A_298 = arith.andi %add3A_295, %and3A_297 : vector<16xi32>
        %gather3A_299 = tpu.vector_load_idx %arg11[%add3A_5, %and3A_298] : memref<80x64xi32, #tpu.memory_space<vmem>>[vector<16xi32>, vector<16xi32>], vector<16xi32>,
        %bitcast3A_300 = vector.bitcast %gather3A_299 : vector<16xi32> to vector<32xbf16>
        %gather3A_301 = tpu.vector_load_idx %arg12[%add3A_5, %and3A_298] : memref<80x64xi32, #tpu.memory_space<vmem>>[vector<16xi32>, vector<16xi32>], vector<16xi32>,
        %bitcast3A_302 = vector.bitcast %gather3A_301 : vector<16xi32> to vector<32xbf16>
        %mul3A_303 = arith.mulf %bitcast3A_300, %bitcast3A_302 : vector<32xbf16>
        %add3A_304 = arith.addf %add3A_265, %mul3A_303 : vector<32xbf16>
        %gather3A_305 = tpu.vector_load_idx %arg11[%add3A_8, %and3A_298] : memref<80x64xi32, #tpu.memory_space<vmem>>[vector<16xi32>, vector<16xi32>], vector<16xi32>,
        %bitcast3A_306 = vector.bitcast %gather3A_305 : vector<16xi32> to vector<32xbf16>
        %gather3A_307 = tpu.vector_load_idx %arg12[%add3A_8, %and3A_298] : memref<80x64xi32, #tpu.memory_space<vmem>>[vector<16xi32>, vector<16xi32>], vector<16xi32>,
        %bitcast3A_308 = vector.bitcast %gather3A_307 : vector<16xi32> to vector<32xbf16>
        %mul3A_309 = arith.mulf %bitcast3A_306, %bitcast3A_308 : vector<32xbf16>
        %add3A_310 = arith.addf %add3A_271, %mul3A_309 : vector<32xbf16>
        %gather3A_311 = tpu.vector_load_idx %arg11[%add3A_11, %and3A_298] : memref<80x64xi32, #tpu.memory_space<vmem>>[vector<16xi32>, vector<16xi32>], vector<16xi32>,
        %bitcast3A_312 = vector.bitcast %gather3A_311 : vector<16xi32> to vector<32xbf16>
        %gather3A_313 = tpu.vector_load_idx %arg12[%add3A_11, %and3A_298] : memref<80x64xi32, #tpu.memory_space<vmem>>[vector<16xi32>, vector<16xi32>], vector<16xi32>,
        %bitcast3A_314 = vector.bitcast %gather3A_313 : vector<16xi32> to vector<32xbf16>
        %mul3A_315 = arith.mulf %bitcast3A_312, %bitcast3A_314 : vector<32xbf16>
        %add3A_316 = arith.addf %add3A_277, %mul3A_315 : vector<32xbf16>
        %gather3A_317 = tpu.vector_load_idx %arg11[%add3A_14, %and3A_298] : memref<80x64xi32, #tpu.memory_space<vmem>>[vector<16xi32>, vector<16xi32>], vector<16xi32>,
        %bitcast3A_318 = vector.bitcast %gather3A_317 : vector<16xi32> to vector<32xbf16>
        %gather3A_319 = tpu.vector_load_idx %arg12[%add3A_14, %and3A_298] : memref<80x64xi32, #tpu.memory_space<vmem>>[vector<16xi32>, vector<16xi32>], vector<16xi32>,
        %bitcast3A_320 = vector.bitcast %gather3A_319 : vector<16xi32> to vector<32xbf16>
        %mul3A_321 = arith.mulf %bitcast3A_318, %bitcast3A_320 : vector<32xbf16>
        %add3A_322 = arith.addf %add3A_283, %mul3A_321 : vector<32xbf16>
        %gather3A_323 = tpu.vector_load_idx %arg11[%add3A_17, %and3A_298] : memref<80x64xi32, #tpu.memory_space<vmem>>[vector<16xi32>, vector<16xi32>], vector<16xi32>,
        %bitcast3A_324 = vector.bitcast %gather3A_323 : vector<16xi32> to vector<32xbf16>
        %gather3A_325 = tpu.vector_load_idx %arg12[%add3A_17, %and3A_298] : memref<80x64xi32, #tpu.memory_space<vmem>>[vector<16xi32>, vector<16xi32>], vector<16xi32>,
        %bitcast3A_326 = vector.bitcast %gather3A_325 : vector<16xi32> to vector<32xbf16>
        %mul3A_327 = arith.mulf %bitcast3A_324, %bitcast3A_326 : vector<32xbf16>
        %add3A_328 = arith.addf %add3A_289, %mul3A_327 : vector<32xbf16>
        %unpack3A = tpu.unpack_subelements %add3A_304, 0 {pack_format = #tpu.pack_format<interleaved>} : vector<32xbf16> -> vector<16xf32>
        %unpack3A_329 = tpu.unpack_subelements %add3A_304, 1 {pack_format = #tpu.pack_format<interleaved>} : vector<32xbf16> -> vector<16xf32>
        %add3A_330 = arith.addf %unpack3A, %unpack3A_329 : vector<16xf32>
        %add3A_331 = arith.addf %scan3A_176, %add3A_330 : vector<16xf32>
        %unpack3A_332 = tpu.unpack_subelements %add3A_310, 0 {pack_format = #tpu.pack_format<interleaved>} : vector<32xbf16> -> vector<16xf32>
        %unpack3A_333 = tpu.unpack_subelements %add3A_310, 1 {pack_format = #tpu.pack_format<interleaved>} : vector<32xbf16> -> vector<16xf32>
        %add3A_334 = arith.addf %unpack3A_332, %unpack3A_333 : vector<16xf32>
        %add3A_335 = arith.addf %scan3A_177, %add3A_334 : vector<16xf32>
        %unpack3A_336 = tpu.unpack_subelements %add3A_316, 0 {pack_format = #tpu.pack_format<interleaved>} : vector<32xbf16> -> vector<16xf32>
        %unpack3A_337 = tpu.unpack_subelements %add3A_316, 1 {pack_format = #tpu.pack_format<interleaved>} : vector<32xbf16> -> vector<16xf32>
        %add3A_338 = arith.addf %unpack3A_336, %unpack3A_337 : vector<16xf32>
        %add3A_339 = arith.addf %scan3A_178, %add3A_338 : vector<16xf32>
        %unpack3A_340 = tpu.unpack_subelements %add3A_322, 0 {pack_format = #tpu.pack_format<interleaved>} : vector<32xbf16> -> vector<16xf32>
        %unpack3A_341 = tpu.unpack_subelements %add3A_322, 1 {pack_format = #tpu.pack_format<interleaved>} : vector<32xbf16> -> vector<16xf32>
        %add3A_342 = arith.addf %unpack3A_340, %unpack3A_341 : vector<16xf32>
        %add3A_343 = arith.addf %scan3A_179, %add3A_342 : vector<16xf32>
        %unpack3A_344 = tpu.unpack_subelements %add3A_328, 0 {pack_format = #tpu.pack_format<interleaved>} : vector<32xbf16> -> vector<16xf32>
        %unpack3A_345 = tpu.unpack_subelements %add3A_328, 1 {pack_format = #tpu.pack_format<interleaved>} : vector<32xbf16> -> vector<16xf32>
        %add3A_346 = arith.addf %unpack3A_344, %unpack3A_345 : vector<16xf32>
        %add3A_347 = arith.addf %scan3A_180, %add3A_346 : vector<16xf32>
        scf.yield %add3A_331, %add3A_335, %add3A_339, %add3A_343, %add3A_347 : vector<16xf32>, vector<16xf32>, vector<16xf32>, vector<16xf32>, vector<16xf32>
      }
      %scan3A_154 = arith.constant 16 : i32
      %add3A_155 = arith.constant 0 : i32
      %add3A_156 = arith.addi %mul3A_146, %add3A_155 : i32
      %swap3A_157 = arith.index_cast %add3A_156 : i32 to index
      %swap3A_158 = tpu.vector_load %arg13[%swap3A_157] {strides = array<i32>} : memref<10000xf32, #tpu.memory_space<vmem>>, vector<16xf32>,
      tpu.vector_store %arg13[%swap3A_157], %scan3A_153#0 {strides = array<i32>} : memref<10000xf32, #tpu.memory_space<vmem>>, vector<16xf32>,
      %add3A_159 = arith.constant 16 : i32
      %add3A_160 = arith.addi %mul3A_146, %add3A_159 : i32
      %swap3A_161 = arith.index_cast %add3A_160 : i32 to index
      %swap3A_162 = tpu.vector_load %arg13[%swap3A_161] {strides = array<i32>} : memref<10000xf32, #tpu.memory_space<vmem>>, vector<16xf32>,
      tpu.vector_store %arg13[%swap3A_161], %scan3A_153#1 {strides = array<i32>} : memref<10000xf32, #tpu.memory_space<vmem>>, vector<16xf32>,
      %add3A_163 = arith.constant 32 : i32
      %add3A_164 = arith.addi %mul3A_146, %add3A_163 : i32
      %swap3A_165 = arith.index_cast %add3A_164 : i32 to index
      %swap3A_166 = tpu.vector_load %arg13[%swap3A_165] {strides = array<i32>} : memref<10000xf32, #tpu.memory_space<vmem>>, vector<16xf32>,
      tpu.vector_store %arg13[%swap3A_165], %scan3A_153#2 {strides = array<i32>} : memref<10000xf32, #tpu.memory_space<vmem>>, vector<16xf32>,
      %add3A_167 = arith.constant 48 : i32
      %add3A_168 = arith.addi %mul3A_146, %add3A_167 : i32
      %swap3A_169 = arith.index_cast %add3A_168 : i32 to index
      %swap3A_170 = tpu.vector_load %arg13[%swap3A_169] {strides = array<i32>} : memref<10000xf32, #tpu.memory_space<vmem>>, vector<16xf32>,
      tpu.vector_store %arg13[%swap3A_169], %scan3A_153#3 {strides = array<i32>} : memref<10000xf32, #tpu.memory_space<vmem>>, vector<16xf32>,
      %add3A_171 = arith.constant 64 : i32
      %add3A_172 = arith.addi %mul3A_146, %add3A_171 : i32
      %swap3A_173 = arith.index_cast %add3A_172 : i32 to index
      %swap3A_174 = tpu.vector_load %arg13[%swap3A_173] {strides = array<i32>} : memref<10000xf32, #tpu.memory_space<vmem>>, vector<16xf32>,
      tpu.vector_store %arg13[%swap3A_173], %scan3A_153#4 {strides = array<i32>} : memref<10000xf32, #tpu.memory_space<vmem>>, vector<16xf32>,
    }
    %scan3A_30 = arith.constant 62 : i32
    %dma_wait3A = arith.constant 9920 : i32
    %dma_wait3A_31 = tpu.memref_slice %arg7[%dma_wait3A] : memref<10000xi32, #tpu.memory_space<vmem>> -> memref<80xi32, #tpu.memory_space<vmem>>
    %dma_wait3A_32 = arith.constant 0 : i32
    %dma_wait3A_33 = arith.constant 0 : i32
    %dma_wait3A_34 = tpu.memref_slice %arg2[%dma_wait3A_32, %dma_wait3A_33] : memref<10000x64xi32, #tpu.memory_space<hbm>> -> memref<10000x64xi32, #tpu.memory_space<hbm>>
    tpu.wait_indirect_dma semaphore(%arg14 : memref<!tpu.dma_semaphore, #tpu.memory_space<semaphore_mem>>) src(%dma_wait3A_34 : memref<10000x64xi32, #tpu.memory_space<hbm>>) dst(%arg9 : memref<80x64xi32, #tpu.memory_space<vmem>>)
    %dma_wait3A_35 = arith.constant 9920 : i32
    %dma_wait3A_36 = tpu.memref_slice %arg8[%dma_wait3A_35] : memref<10000xi32, #tpu.memory_space<vmem>> -> memref<80xi32, #tpu.memory_space<vmem>>
    %dma_wait3A_37 = arith.constant 0 : i32
    %dma_wait3A_38 = arith.constant 0 : i32
    %dma_wait3A_39 = tpu.memref_slice %arg3[%dma_wait3A_37, %dma_wait3A_38] : memref<10000x64xi32, #tpu.memory_space<hbm>> -> memref<10000x64xi32, #tpu.memory_space<hbm>>
    tpu.wait_indirect_dma semaphore(%arg15 : memref<!tpu.dma_semaphore, #tpu.memory_space<semaphore_mem>>) src(%dma_wait3A_39 : memref<10000x64xi32, #tpu.memory_space<hbm>>) dst(%arg10 : memref<80x64xi32, #tpu.memory_space<vmem>>)
    %broadcast_in_dim3A = arith.constant 0.000000e+00 : f32
    %broadcast_in_dim3A_40 = vector.broadcast %broadcast_in_dim3A : f32 to vector<16xf32>
    %scan3A_41 = arith.constant 0 : i32
    %scan3A_42 = arith.constant 16 : i32
    %scan3A_43 = arith.addi %scan3A_41, %scan3A_42 : i32
    %scan3A_44 = arith.constant 1 : i32
    %scan3A_45:5 = scf.for %scan3A_56 = %scan3A_41 to %scan3A_43 step %scan3A_44 iter_args(%scan3A_57 = %broadcast_in_dim3A_40, %scan3A_58 = %broadcast_in_dim3A_40, %scan3A_59 = %broadcast_in_dim3A_40, %scan3A_60 = %broadcast_in_dim3A_40, %scan3A_61 = %broadcast_in_dim3A_40) -> (vector<16xf32>, vector<16xf32>, vector<16xf32>, vector<16xf32>, vector<16xf32>)  : i32 {
      %mul3A_62 = arith.constant 4 : i32
      %mul3A_63 = arith.muli %scan3A_56, %mul3A_62 : i32
      %add3A_64 = arith.constant 0 : i32
      %add3A_65 = arith.addi %mul3A_63, %add3A_64 : i32
      %add3A_66 = vector.broadcast %add3A_65 : i32 to vector<16xi32>
      %add3A_67 = arith.addi %iota3A, %add3A_66 : vector<16xi32>
      %and3A = arith.constant 63 : i32
      %and3A_68 = vector.broadcast %and3A : i32 to vector<16xi32>
      %and3A_69 = arith.andi %add3A_67, %and3A_68 : vector<16xi32>
      %gather3A = tpu.vector_load_idx %arg9[%add3A_5, %and3A_69] : memref<80x64xi32, #tpu.memory_space<vmem>>[vector<16xi32>, vector<16xi32>], vector<16xi32>,
      %bitcast3A = vector.bitcast %gather3A : vector<16xi32> to vector<32xbf16>
      %gather3A_70 = tpu.vector_load_idx %arg10[%add3A_5, %and3A_69] : memref<80x64xi32, #tpu.memory_space<vmem>>[vector<16xi32>, vector<16xi32>], vector<16xi32>,
      %bitcast3A_71 = vector.bitcast %gather3A_70 : vector<16xi32> to vector<32xbf16>
      %mul3A_72 = arith.mulf %bitcast3A, %bitcast3A_71 : vector<32xbf16>
      %gather3A_73 = tpu.vector_load_idx %arg9[%add3A_8, %and3A_69] : memref<80x64xi32, #tpu.memory_space<vmem>>[vector<16xi32>, vector<16xi32>], vector<16xi32>,
      %bitcast3A_74 = vector.bitcast %gather3A_73 : vector<16xi32> to vector<32xbf16>
      %gather3A_75 = tpu.vector_load_idx %arg10[%add3A_8, %and3A_69] : memref<80x64xi32, #tpu.memory_space<vmem>>[vector<16xi32>, vector<16xi32>], vector<16xi32>,
      %bitcast3A_76 = vector.bitcast %gather3A_75 : vector<16xi32> to vector<32xbf16>
      %mul3A_77 = arith.mulf %bitcast3A_74, %bitcast3A_76 : vector<32xbf16>
      %gather3A_78 = tpu.vector_load_idx %arg9[%add3A_11, %and3A_69] : memref<80x64xi32, #tpu.memory_space<vmem>>[vector<16xi32>, vector<16xi32>], vector<16xi32>,
      %bitcast3A_79 = vector.bitcast %gather3A_78 : vector<16xi32> to vector<32xbf16>
      %gather3A_80 = tpu.vector_load_idx %arg10[%add3A_11, %and3A_69] : memref<80x64xi32, #tpu.memory_space<vmem>>[vector<16xi32>, vector<16xi32>], vector<16xi32>,
      %bitcast3A_81 = vector.bitcast %gather3A_80 : vector<16xi32> to vector<32xbf16>
      %mul3A_82 = arith.mulf %bitcast3A_79, %bitcast3A_81 : vector<32xbf16>
      %gather3A_83 = tpu.vector_load_idx %arg9[%add3A_14, %and3A_69] : memref<80x64xi32, #tpu.memory_space<vmem>>[vector<16xi32>, vector<16xi32>], vector<16xi32>,
      %bitcast3A_84 = vector.bitcast %gather3A_83 : vector<16xi32> to vector<32xbf16>
      %gather3A_85 = tpu.vector_load_idx %arg10[%add3A_14, %and3A_69] : memref<80x64xi32, #tpu.memory_space<vmem>>[vector<16xi32>, vector<16xi32>], vector<16xi32>,
      %bitcast3A_86 = vector.bitcast %gather3A_85 : vector<16xi32> to vector<32xbf16>
      %mul3A_87 = arith.mulf %bitcast3A_84, %bitcast3A_86 : vector<32xbf16>
      %gather3A_88 = tpu.vector_load_idx %arg9[%add3A_17, %and3A_69] : memref<80x64xi32, #tpu.memory_space<vmem>>[vector<16xi32>, vector<16xi32>], vector<16xi32>,
      %bitcast3A_89 = vector.bitcast %gather3A_88 : vector<16xi32> to vector<32xbf16>
      %gather3A_90 = tpu.vector_load_idx %arg10[%add3A_17, %and3A_69] : memref<80x64xi32, #tpu.memory_space<vmem>>[vector<16xi32>, vector<16xi32>], vector<16xi32>,
      %bitcast3A_91 = vector.bitcast %gather3A_90 : vector<16xi32> to vector<32xbf16>
      %mul3A_92 = arith.mulf %bitcast3A_89, %bitcast3A_91 : vector<32xbf16>
      %mul3A_93 = arith.constant 4 : i32
      %mul3A_94 = arith.muli %scan3A_56, %mul3A_93 : i32
      %add3A_95 = arith.constant 1 : i32
      %add3A_96 = arith.addi %mul3A_94, %add3A_95 : i32
      %add3A_97 = vector.broadcast %add3A_96 : i32 to vector<16xi32>
      %add3A_98 = arith.addi %iota3A, %add3A_97 : vector<16xi32>
      %and3A_99 = arith.constant 63 : i32
      %and3A_100 = vector.broadcast %and3A_99 : i32 to vector<16xi32>
      %and3A_101 = arith.andi %add3A_98, %and3A_100 : vector<16xi32>
      %gather3A_102 = tpu.vector_load_idx %arg9[%add3A_5, %and3A_101] : memref<80x64xi32, #tpu.memory_space<vmem>>[vector<16xi32>, vector<16xi32>], vector<16xi32>,
      %bitcast3A_103 = vector.bitcast %gather3A_102 : vector<16xi32> to vector<32xbf16>
      %gather3A_104 = tpu.vector_load_idx %arg10[%add3A_5, %and3A_101] : memref<80x64xi32, #tpu.memory_space<vmem>>[vector<16xi32>, vector<16xi32>], vector<16xi32>,
      %bitcast3A_105 = vector.bitcast %gather3A_104 : vector<16xi32> to vector<32xbf16>
      %mul3A_106 = arith.mulf %bitcast3A_103, %bitcast3A_105 : vector<32xbf16>
      %add3A_107 = arith.addf %mul3A_72, %mul3A_106 : vector<32xbf16>
      %gather3A_108 = tpu.vector_load_idx %arg9[%add3A_8, %and3A_101] : memref<80x64xi32, #tpu.memory_space<vmem>>[vector<16xi32>, vector<16xi32>], vector<16xi32>,
      %bitcast3A_109 = vector.bitcast %gather3A_108 : vector<16xi32> to vector<32xbf16>
      %gather3A_110 = tpu.vector_load_idx %arg10[%add3A_8, %and3A_101] : memref<80x64xi32, #tpu.memory_space<vmem>>[vector<16xi32>, vector<16xi32>], vector<16xi32>,
      %bitcast3A_111 = vector.bitcast %gather3A_110 : vector<16xi32> to vector<32xbf16>
      %mul3A_112 = arith.mulf %bitcast3A_109, %bitcast3A_111 : vector<32xbf16>
      %add3A_113 = arith.addf %mul3A_77, %mul3A_112 : vector<32xbf16>
      %gather3A_114 = tpu.vector_load_idx %arg9[%add3A_11, %and3A_101] : memref<80x64xi32, #tpu.memory_space<vmem>>[vector<16xi32>, vector<16xi32>], vector<16xi32>,
      %bitcast3A_115 = vector.bitcast %gather3A_114 : vector<16xi32> to vector<32xbf16>
      %gather3A_116 = tpu.vector_load_idx %arg10[%add3A_11, %and3A_101] : memref<80x64xi32, #tpu.memory_space<vmem>>[vector<16xi32>, vector<16xi32>], vector<16xi32>,
      %bitcast3A_117 = vector.bitcast %gather3A_116 : vector<16xi32> to vector<32xbf16>
      %mul3A_118 = arith.mulf %bitcast3A_115, %bitcast3A_117 : vector<32xbf16>
      %add3A_119 = arith.addf %mul3A_82, %mul3A_118 : vector<32xbf16>
      %gather3A_120 = tpu.vector_load_idx %arg9[%add3A_14, %and3A_101] : memref<80x64xi32, #tpu.memory_space<vmem>>[vector<16xi32>, vector<16xi32>], vector<16xi32>,
      %bitcast3A_121 = vector.bitcast %gather3A_120 : vector<16xi32> to vector<32xbf16>
      %gather3A_122 = tpu.vector_load_idx %arg10[%add3A_14, %and3A_101] : memref<80x64xi32, #tpu.memory_space<vmem>>[vector<16xi32>, vector<16xi32>], vector<16xi32>,
      %bitcast3A_123 = vector.bitcast %gather3A_122 : vector<16xi32> to vector<32xbf16>
      %mul3A_124 = arith.mulf %bitcast3A_121, %bitcast3A_123 : vector<32xbf16>
      %add3A_125 = arith.addf %mul3A_87, %mul3A_124 : vector<32xbf16>
      %gather3A_126 = tpu.vector_load_idx %arg9[%add3A_17, %and3A_101] : memref<80x64xi32, #tpu.memory_space<vmem>>[vector<16xi32>, vector<16xi32>], vector<16xi32>,
      %bitcast3A_127 = vector.bitcast %gather3A_126 : vector<16xi32> to vector<32xbf16>
      %gather3A_128 = tpu.vector_load_idx %arg10[%add3A_17, %and3A_101] : memref<80x64xi32, #tpu.memory_space<vmem>>[vector<16xi32>, vector<16xi32>], vector<16xi32>,
      %bitcast3A_129 = vector.bitcast %gather3A_128 : vector<16xi32> to vector<32xbf16>
      %mul3A_130 = arith.mulf %bitcast3A_127, %bitcast3A_129 : vector<32xbf16>
      %add3A_131 = arith.addf %mul3A_92, %mul3A_130 : vector<32xbf16>
      %mul3A_132 = arith.constant 4 : i32
      %mul3A_133 = arith.muli %scan3A_56, %mul3A_132 : i32
      %add3A_134 = arith.constant 2 : i32
      %add3A_135 = arith.addi %mul3A_133, %add3A_134 : i32
      %add3A_136 = vector.broadcast %add3A_135 : i32 to vector<16xi32>
      %add3A_137 = arith.addi %iota3A, %add3A_136 : vector<16xi32>
      %and3A_138 = arith.constant 63 : i32
      %and3A_139 = vector.broadcast %and3A_138 : i32 to vector<16xi32>
      %and3A_140 = arith.andi %add3A_137, %and3A_139 : vector<16xi32>
      %gather3A_141 = tpu.vector_load_idx %arg9[%add3A_5, %and3A_140] : memref<80x64xi32, #tpu.memory_space<vmem>>[vector<16xi32>, vector<16xi32>], vector<16xi32>,
      %bitcast3A_142 = vector.bitcast %gather3A_141 : vector<16xi32> to vector<32xbf16>
      %gather3A_143 = tpu.vector_load_idx %arg10[%add3A_5, %and3A_140] : memref<80x64xi32, #tpu.memory_space<vmem>>[vector<16xi32>, vector<16xi32>], vector<16xi32>,
      %bitcast3A_144 = vector.bitcast %gather3A_143 : vector<16xi32> to vector<32xbf16>
      %mul3A_145 = arith.mulf %bitcast3A_142, %bitcast3A_144 : vector<32xbf16>
      %add3A_146 = arith.addf %add3A_107, %mul3A_145 : vector<32xbf16>
      %gather3A_147 = tpu.vector_load_idx %arg9[%add3A_8, %and3A_140] : memref<80x64xi32, #tpu.memory_space<vmem>>[vector<16xi32>, vector<16xi32>], vector<16xi32>,
      %bitcast3A_148 = vector.bitcast %gather3A_147 : vector<16xi32> to vector<32xbf16>
      %gather3A_149 = tpu.vector_load_idx %arg10[%add3A_8, %and3A_140] : memref<80x64xi32, #tpu.memory_space<vmem>>[vector<16xi32>, vector<16xi32>], vector<16xi32>,
      %bitcast3A_150 = vector.bitcast %gather3A_149 : vector<16xi32> to vector<32xbf16>
      %mul3A_151 = arith.mulf %bitcast3A_148, %bitcast3A_150 : vector<32xbf16>
      %add3A_152 = arith.addf %add3A_113, %mul3A_151 : vector<32xbf16>
      %gather3A_153 = tpu.vector_load_idx %arg9[%add3A_11, %and3A_140] : memref<80x64xi32, #tpu.memory_space<vmem>>[vector<16xi32>, vector<16xi32>], vector<16xi32>,
      %bitcast3A_154 = vector.bitcast %gather3A_153 : vector<16xi32> to vector<32xbf16>
      %gather3A_155 = tpu.vector_load_idx %arg10[%add3A_11, %and3A_140] : memref<80x64xi32, #tpu.memory_space<vmem>>[vector<16xi32>, vector<16xi32>], vector<16xi32>,
      %bitcast3A_156 = vector.bitcast %gather3A_155 : vector<16xi32> to vector<32xbf16>
      %mul3A_157 = arith.mulf %bitcast3A_154, %bitcast3A_156 : vector<32xbf16>
      %add3A_158 = arith.addf %add3A_119, %mul3A_157 : vector<32xbf16>
      %gather3A_159 = tpu.vector_load_idx %arg9[%add3A_14, %and3A_140] : memref<80x64xi32, #tpu.memory_space<vmem>>[vector<16xi32>, vector<16xi32>], vector<16xi32>,
      %bitcast3A_160 = vector.bitcast %gather3A_159 : vector<16xi32> to vector<32xbf16>
      %gather3A_161 = tpu.vector_load_idx %arg10[%add3A_14, %and3A_140] : memref<80x64xi32, #tpu.memory_space<vmem>>[vector<16xi32>, vector<16xi32>], vector<16xi32>,
      %bitcast3A_162 = vector.bitcast %gather3A_161 : vector<16xi32> to vector<32xbf16>
      %mul3A_163 = arith.mulf %bitcast3A_160, %bitcast3A_162 : vector<32xbf16>
      %add3A_164 = arith.addf %add3A_125, %mul3A_163 : vector<32xbf16>
      %gather3A_165 = tpu.vector_load_idx %arg9[%add3A_17, %and3A_140] : memref<80x64xi32, #tpu.memory_space<vmem>>[vector<16xi32>, vector<16xi32>], vector<16xi32>,
      %bitcast3A_166 = vector.bitcast %gather3A_165 : vector<16xi32> to vector<32xbf16>
      %gather3A_167 = tpu.vector_load_idx %arg10[%add3A_17, %and3A_140] : memref<80x64xi32, #tpu.memory_space<vmem>>[vector<16xi32>, vector<16xi32>], vector<16xi32>,
      %bitcast3A_168 = vector.bitcast %gather3A_167 : vector<16xi32> to vector<32xbf16>
      %mul3A_169 = arith.mulf %bitcast3A_166, %bitcast3A_168 : vector<32xbf16>
      %add3A_170 = arith.addf %add3A_131, %mul3A_169 : vector<32xbf16>
      %mul3A_171 = arith.constant 4 : i32
      %mul3A_172 = arith.muli %scan3A_56, %mul3A_171 : i32
      %add3A_173 = arith.constant 3 : i32
      %add3A_174 = arith.addi %mul3A_172, %add3A_173 : i32
      %add3A_175 = vector.broadcast %add3A_174 : i32 to vector<16xi32>
      %add3A_176 = arith.addi %iota3A, %add3A_175 : vector<16xi32>
      %and3A_177 = arith.constant 63 : i32
      %and3A_178 = vector.broadcast %and3A_177 : i32 to vector<16xi32>
      %and3A_179 = arith.andi %add3A_176, %and3A_178 : vector<16xi32>
      %gather3A_180 = tpu.vector_load_idx %arg9[%add3A_5, %and3A_179] : memref<80x64xi32, #tpu.memory_space<vmem>>[vector<16xi32>, vector<16xi32>], vector<16xi32>,
      %bitcast3A_181 = vector.bitcast %gather3A_180 : vector<16xi32> to vector<32xbf16>
      %gather3A_182 = tpu.vector_load_idx %arg10[%add3A_5, %and3A_179] : memref<80x64xi32, #tpu.memory_space<vmem>>[vector<16xi32>, vector<16xi32>], vector<16xi32>,
      %bitcast3A_183 = vector.bitcast %gather3A_182 : vector<16xi32> to vector<32xbf16>
      %mul3A_184 = arith.mulf %bitcast3A_181, %bitcast3A_183 : vector<32xbf16>
      %add3A_185 = arith.addf %add3A_146, %mul3A_184 : vector<32xbf16>
      %gather3A_186 = tpu.vector_load_idx %arg9[%add3A_8, %and3A_179] : memref<80x64xi32, #tpu.memory_space<vmem>>[vector<16xi32>, vector<16xi32>], vector<16xi32>,
      %bitcast3A_187 = vector.bitcast %gather3A_186 : vector<16xi32> to vector<32xbf16>
      %gather3A_188 = tpu.vector_load_idx %arg10[%add3A_8, %and3A_179] : memref<80x64xi32, #tpu.memory_space<vmem>>[vector<16xi32>, vector<16xi32>], vector<16xi32>,
      %bitcast3A_189 = vector.bitcast %gather3A_188 : vector<16xi32> to vector<32xbf16>
      %mul3A_190 = arith.mulf %bitcast3A_187, %bitcast3A_189 : vector<32xbf16>
      %add3A_191 = arith.addf %add3A_152, %mul3A_190 : vector<32xbf16>
      %gather3A_192 = tpu.vector_load_idx %arg9[%add3A_11, %and3A_179] : memref<80x64xi32, #tpu.memory_space<vmem>>[vector<16xi32>, vector<16xi32>], vector<16xi32>,
      %bitcast3A_193 = vector.bitcast %gather3A_192 : vector<16xi32> to vector<32xbf16>
      %gather3A_194 = tpu.vector_load_idx %arg10[%add3A_11, %and3A_179] : memref<80x64xi32, #tpu.memory_space<vmem>>[vector<16xi32>, vector<16xi32>], vector<16xi32>,
      %bitcast3A_195 = vector.bitcast %gather3A_194 : vector<16xi32> to vector<32xbf16>
      %mul3A_196 = arith.mulf %bitcast3A_193, %bitcast3A_195 : vector<32xbf16>
      %add3A_197 = arith.addf %add3A_158, %mul3A_196 : vector<32xbf16>
      %gather3A_198 = tpu.vector_load_idx %arg9[%add3A_14, %and3A_179] : memref<80x64xi32, #tpu.memory_space<vmem>>[vector<16xi32>, vector<16xi32>], vector<16xi32>,
      %bitcast3A_199 = vector.bitcast %gather3A_198 : vector<16xi32> to vector<32xbf16>
      %gather3A_200 = tpu.vector_load_idx %arg10[%add3A_14, %and3A_179] : memref<80x64xi32, #tpu.memory_space<vmem>>[vector<16xi32>, vector<16xi32>], vector<16xi32>,
      %bitcast3A_201 = vector.bitcast %gather3A_200 : vector<16xi32> to vector<32xbf16>
      %mul3A_202 = arith.mulf %bitcast3A_199, %bitcast3A_201 : vector<32xbf16>
      %add3A_203 = arith.addf %add3A_164, %mul3A_202 : vector<32xbf16>
      %gather3A_204 = tpu.vector_load_idx %arg9[%add3A_17, %and3A_179] : memref<80x64xi32, #tpu.memory_space<vmem>>[vector<16xi32>, vector<16xi32>], vector<16xi32>,
      %bitcast3A_205 = vector.bitcast %gather3A_204 : vector<16xi32> to vector<32xbf16>
      %gather3A_206 = tpu.vector_load_idx %arg10[%add3A_17, %and3A_179] : memref<80x64xi32, #tpu.memory_space<vmem>>[vector<16xi32>, vector<16xi32>], vector<16xi32>,
      %bitcast3A_207 = vector.bitcast %gather3A_206 : vector<16xi32> to vector<32xbf16>
      %mul3A_208 = arith.mulf %bitcast3A_205, %bitcast3A_207 : vector<32xbf16>
      %add3A_209 = arith.addf %add3A_170, %mul3A_208 : vector<32xbf16>
      %unpack3A = tpu.unpack_subelements %add3A_185, 0 {pack_format = #tpu.pack_format<interleaved>} : vector<32xbf16> -> vector<16xf32>
      %unpack3A_210 = tpu.unpack_subelements %add3A_185, 1 {pack_format = #tpu.pack_format<interleaved>} : vector<32xbf16> -> vector<16xf32>
      %add3A_211 = arith.addf %unpack3A, %unpack3A_210 : vector<16xf32>
      %add3A_212 = arith.addf %scan3A_57, %add3A_211 : vector<16xf32>
      %unpack3A_213 = tpu.unpack_subelements %add3A_191, 0 {pack_format = #tpu.pack_format<interleaved>} : vector<32xbf16> -> vector<16xf32>
      %unpack3A_214 = tpu.unpack_subelements %add3A_191, 1 {pack_format = #tpu.pack_format<interleaved>} : vector<32xbf16> -> vector<16xf32>
      %add3A_215 = arith.addf %unpack3A_213, %unpack3A_214 : vector<16xf32>
      %add3A_216 = arith.addf %scan3A_58, %add3A_215 : vector<16xf32>
      %unpack3A_217 = tpu.unpack_subelements %add3A_197, 0 {pack_format = #tpu.pack_format<interleaved>} : vector<32xbf16> -> vector<16xf32>
      %unpack3A_218 = tpu.unpack_subelements %add3A_197, 1 {pack_format = #tpu.pack_format<interleaved>} : vector<32xbf16> -> vector<16xf32>
      %add3A_219 = arith.addf %unpack3A_217, %unpack3A_218 : vector<16xf32>
      %add3A_220 = arith.addf %scan3A_59, %add3A_219 : vector<16xf32>
      %unpack3A_221 = tpu.unpack_subelements %add3A_203, 0 {pack_format = #tpu.pack_format<interleaved>} : vector<32xbf16> -> vector<16xf32>
      %unpack3A_222 = tpu.unpack_subelements %add3A_203, 1 {pack_format = #tpu.pack_format<interleaved>} : vector<32xbf16> -> vector<16xf32>
      %add3A_223 = arith.addf %unpack3A_221, %unpack3A_222 : vector<16xf32>
      %add3A_224 = arith.addf %scan3A_60, %add3A_223 : vector<16xf32>
      %unpack3A_225 = tpu.unpack_subelements %add3A_209, 0 {pack_format = #tpu.pack_format<interleaved>} : vector<32xbf16> -> vector<16xf32>
      %unpack3A_226 = tpu.unpack_subelements %add3A_209, 1 {pack_format = #tpu.pack_format<interleaved>} : vector<32xbf16> -> vector<16xf32>
      %add3A_227 = arith.addf %unpack3A_225, %unpack3A_226 : vector<16xf32>
      %add3A_228 = arith.addf %scan3A_61, %add3A_227 : vector<16xf32>
      scf.yield %add3A_212, %add3A_216, %add3A_220, %add3A_224, %add3A_228 : vector<16xf32>, vector<16xf32>, vector<16xf32>, vector<16xf32>, vector<16xf32>
    }
    %scan3A_46 = arith.constant 16 : i32
    %swap3A = arith.constant 9920 : index
    %swap3A_47 = tpu.vector_load %arg13[%swap3A] {strides = array<i32>} : memref<10000xf32, #tpu.memory_space<vmem>>, vector<16xf32>,
    tpu.vector_store %arg13[%swap3A], %scan3A_45#0 {strides = array<i32>} : memref<10000xf32, #tpu.memory_space<vmem>>, vector<16xf32>,
    %swap3A_48 = arith.constant 9936 : index
    %swap3A_49 = tpu.vector_load %arg13[%swap3A_48] {strides = array<i32>} : memref<10000xf32, #tpu.memory_space<vmem>>, vector<16xf32>,
    tpu.vector_store %arg13[%swap3A_48], %scan3A_45#1 {strides = array<i32>} : memref<10000xf32, #tpu.memory_space<vmem>>, vector<16xf32>,
    %swap3A_50 = arith.constant 9952 : index
    %swap3A_51 = tpu.vector_load %arg13[%swap3A_50] {strides = array<i32>} : memref<10000xf32, #tpu.memory_space<vmem>>, vector<16xf32>,
    tpu.vector_store %arg13[%swap3A_50], %scan3A_45#2 {strides = array<i32>} : memref<10000xf32, #tpu.memory_space<vmem>>, vector<16xf32>,
    %swap3A_52 = arith.constant 9968 : index
    %swap3A_53 = tpu.vector_load %arg13[%swap3A_52] {strides = array<i32>} : memref<10000xf32, #tpu.memory_space<vmem>>, vector<16xf32>,
    tpu.vector_store %arg13[%swap3A_52], %scan3A_45#3 {strides = array<i32>} : memref<10000xf32, #tpu.memory_space<vmem>>, vector<16xf32>,
    %swap3A_54 = arith.constant 9984 : index
    %swap3A_55 = tpu.vector_load %arg13[%swap3A_54] {strides = array<i32>} : memref<10000xf32, #tpu.memory_space<vmem>>, vector<16xf32>,
    tpu.vector_store %arg13[%swap3A_54], %scan3A_45#4 {strides = array<i32>} : memref<10000xf32, #tpu.memory_space<vmem>>, vector<16xf32>,
    "tpu.region"() ({
      %run_scoped3A = tpu.sem_alloc : memref<!tpu.dma_semaphore, #tpu.memory_space<semaphore_mem>>
      %dma_start3A_56 = tpu.memref_slice %arg6[%mul3A_2] : memref<320000xf32, #tpu.memory_space<hbm>> -> memref<10000xf32, #tpu.memory_space<hbm>>
      %dma_start3A_57 = tpu.memref_slice %arg6[%mul3A_2] : memref<320000xf32, #tpu.memory_space<hbm>> -> memref<10000xf32, #tpu.memory_space<hbm>>
      tpu.enqueue_dma source(%arg13 : memref<10000xf32, #tpu.memory_space<vmem>>) target(%dma_start3A_57 : memref<10000xf32, #tpu.memory_space<hbm>>) target_semaphore(%run_scoped3A : memref<!tpu.dma_semaphore, #tpu.memory_space<semaphore_mem>>)
      %dma_wait3A_58 = tpu.memref_slice %arg6[%mul3A_2] : memref<320000xf32, #tpu.memory_space<hbm>> -> memref<10000xf32, #tpu.memory_space<hbm>>
      %dma_wait3A_59 = tpu.memref_slice %arg6[%mul3A_2] : memref<320000xf32, #tpu.memory_space<hbm>> -> memref<10000xf32, #tpu.memory_space<hbm>>
      tpu.wait_dma2 semaphore(%run_scoped3A : memref<!tpu.dma_semaphore, #tpu.memory_space<semaphore_mem>>) src(%arg13 : memref<10000xf32, #tpu.memory_space<vmem>>) dst(%dma_wait3A_59 : memref<10000xf32, #tpu.memory_space<hbm>>)
      tpu.yield
    }) : () -> ()
    return
  }
}

</mosaic_0001>

<sc_bundles>
// kernel: _run.3.cloned.1.call-start
scs
__scs_entry_jumppad:
0x0: {  	(pc) =	sbr.rel $0x88, $3  }
0x1: {  	(tag) =	ssettag $0x0;
	lr =	simm.s32 $0x1  }
0x2: {  	[smem:$0x3F9D] =	sst lr;
	_ =	strace $0xD0000000  }
0x3: {  	_ = 	snop  }
0x4: {  	_ = 	snop  }
0x5: {  	_ = 	snop  }
0x6: {  	_ = 	snop  }
0x7: {  	_ = 	snop  }
__scs_overlays_trampoline_lowered:
0x8: {  	[smem:$0x3FAC] =	sst s0  }
0x9: {  	[smem:$0x3FAD] =	sst s1  }
0xa: {  	[smem:$0x3FAE] =	sst s2  }
0xb: {  	[smem:$0x3FAF] =	sst s3  }
0xc: {  	[smem:$0x3FB0] =	sst s4  }
0xd: {  	[smem:$0x3FB1] =	sst s5  }
0xe: {  	[smem:$0x3FB2] =	sst s6  }
0xf: {  	[smem:$0x3FB3] =	sst s7  }
0x10: {  	[smem:$0x3FB4] =	sst s8  }
0x11: {  	[smem:$0x3FB5] =	sst s9;
	s0 =	simm.s32 @!p0 $0x0  }
0x12: {  	s1 =	sld [smem:$0x3F9B];
	s0 =	simm.s32 @p0 $0x1  }
0x13: {  	[smem:$0x3FB6] =	sst s0;
	s0 =	simm.s32 @!p1 $0x0  }
0x14: {  	s2 =	sld [smem:$0x3F9A];
	s0 =	simm.s32 @p1 $0x1  }
0x15: {  	[smem:$0x3FB7] =	sst s0;
	s0 =	simm.s32 @!p2 $0x0  }
0x16: {  	s3 =	sld [smem:$0x3FDB];
	s0 =	simm.s32 @p2 $0x1  }
0x17: {  	s4 =	simm.s32 $0x1BF5;
	[smem:$0x3FB9] =	sst s0  }
0x18: {  	s0 =	sld [smem:$0x3F9C];
	_ =	swait.ge [sflag:s4], $0x0  }
0x19: {  	s7 =	sld [smem:$0x3F9D]  }
0x1a: {  	s8 =	sadd.s32 $0xFFFFE003, lr  }
0x1b: {  	s9 =	sadd.s32 $0xFFFFFEF7, lr;
	s5 =	simm.s32 $0xFFFFFFFF;
	p2 =	slt.u32 s8, $0xFFFFF086  }
0x1c: {  	p1 =	slt.u32 s9, $0xF7A;
	s5 =	simm.s32 @!p2 $0x0  }
0x1d: {  	s5 =	simm.s32 @p1 $0x1;
	p0 =	seq.s32 s7, s2  }
0x1e: {  	s7 =	smul.u32 @!p0 $0xF7A, s2;
	p2 =	seq.s32 @!p0 s5, $0x0  }
0x1f: {  	s9 =	smul.u32 $0xF7A, s1;
	s8 =	simm.s32 @!p0 $0x1BF5;
	p2 =	por !p2, p0  }
0x20: {  	[sflag:s8] =	ssyncset.s32 @!p0 $0xFFFFF086;
	s6 =	sadd.s32 @!p0 s3, s7;
	s7 =	simm.s32 @!p0 $0x108  }
0x21: {  	s3 =	sadd.s32 s3, s9;
	s6 =	sadd.s32 @!p0 $0x88, s6;
	s7 =	simm.s32 @p2 $0x1082  }
0x22: {  	[simem:s7], [sflag:s8] =	dma.local @!p0 [hbm:s6], $0xF7A  }
0x23: {  	s9 =	sor.u32 $0xD0000000, s2;
	s6 =	simm.s32 $0x108;
	_ =	swait.ge @!p0 [sflag:s8], $0x0  }
0x24: {  	s3 =	sadd.s32 $0x88, s3;
	s6 =	simm.s32 @!p1 $0x1082;
	[sflag:s4] =	ssyncset.s32 $0xFFFFF086  }
0x25: {  	[simem:s6], [sflag:s4] =	dma.local [hbm:s3], $0xF7A  }
0x26: {  	[smem:$0x3F9D] =	sst s1;
	(tag) =	ssettag s2;
	_ =	strace s9  }
0x27: {  	s1 =	sld [smem:$0x3FAD]  }
0x28: {  	s2 =	sld [smem:$0x3FAE]  }
0x29: {  	s4 =	sld [smem:$0x3FB0]  }
0x2a: {  	p0 =	seq.s32 s5, $0x0;
	s5 =	sld [smem:$0x3FB1]  }
0x2b: {  	s6 =	sld [smem:$0x3FB2]  }
0x2c: {  	s7 =	sld [smem:$0x3FB3]  }
0x2d: {  	s3 =	simm.s32 $0x108;
	s8 =	sld [smem:$0x3FB4]  }
0x2e: {  	s3 =	simm.s32 @!p0 $0x1082;
	s9 =	sld [smem:$0x3FB5]  }
0x2f: {  	lr =	sadd.s32 s0, s3;
	s0 =	sld [smem:$0x3FAC]  }
0x30: {  	s3 =	sld [smem:$0x3FAF]  }
0x31: {  	[smem:$0x3FB8] =	sst s10  }
0x32: {  	s10 =	sld [smem:$0x3FB6];
	_ =	sdelay $0x3  }
0x33: {  	p0 =	seq.s32 s10, $0x1;
	s10 =	sld [smem:$0x3FB8];
	_ =	sdelay $0x3  }
0x34: {  	[smem:$0x3FB8] =	sst s10  }
0x35: {  	s10 =	sld [smem:$0x3FB7];
	_ =	sdelay $0x3  }
0x36: {  	p1 =	seq.s32 s10, $0x1;
	s10 =	sld [smem:$0x3FB8];
	_ =	sdelay $0x3  }
0x37: {  	[smem:$0x3FB8] =	sst s10  }
0x38: {  	s10 =	sld [smem:$0x3FB9]  }
0x39: {  	_ = 	snop;
	(pc) =	sbr.ind lr, $3  }
0x3a: {  	_ = 	snop  }
0x3b: {  	_ = 	snop  }
0x3c: {  	p2 =	seq.s32 s10, $0x1;
	s10 =	sld [smem:$0x3FB8]  }
0x3d: {  	_ =	shalt  }
0x3e: {  	_ =	shalt  }
0x3f: {  	_ =	shalt  }
0x40: {  	_ =	shalt  }
0x41: {  	_ =	shalt  }
0x42: {  	_ =	shalt  }
0x43: {  	_ =	shalt  }
0x44: {  	_ =	shalt  }
0x45: {  	_ =	shalt  }
0x46: {  	_ =	shalt  }
0x47: {  	_ =	shalt  }
0x48: {  	_ =	shalt  }
0x49: {  	_ =	shalt  }
0x4a: {  	_ =	shalt  }
0x4b: {  	_ =	shalt  }
0x4c: {  	_ =	shalt  }
0x4d: {  	_ =	shalt  }
0x4e: {  	_ =	shalt  }
0x4f: {  	_ =	shalt  }
0x50: {  	_ =	shalt  }
0x51: {  	_ =	shalt  }
0x52: {  	_ =	shalt  }
0x53: {  	_ =	shalt  }
0x54: {  	_ =	shalt  }
0x55: {  	_ =	shalt  }
0x56: {  	_ =	shalt  }
0x57: {  	_ =	shalt  }
0x58: {  	_ =	shalt  }
0x59: {  	_ =	shalt  }
0x5a: {  	_ =	shalt  }
0x5b: {  	_ =	shalt  }
0x5c: {  	_ =	shalt  }
0x5d: {  	_ =	shalt  }
0x5e: {  	_ =	shalt  }
0x5f: {  	_ =	shalt  }
0x60: {  	_ =	shalt  }
0x61: {  	_ =	shalt  }
0x62: {  	_ =	shalt  }
0x63: {  	_ =	shalt  }
0x64: {  	_ =	shalt  }
0x65: {  	_ =	shalt  }
0x66: {  	_ =	shalt  }
0x67: {  	_ =	shalt  }
0x68: {  	_ =	shalt  }
0x69: {  	_ =	shalt  }
0x6a: {  	_ =	shalt  }
0x6b: {  	_ =	shalt  }
0x6c: {  	_ =	shalt  }
0x6d: {  	_ =	shalt  }
0x6e: {  	_ =	shalt  }
0x6f: {  	_ =	shalt  }
0x70: {  	_ =	shalt  }
0x71: {  	_ =	shalt  }
0x72: {  	_ =	shalt  }
0x73: {  	_ =	shalt  }
0x74: {  	_ =	shalt  }
0x75: {  	_ =	shalt  }
0x76: {  	_ =	shalt  }
0x77: {  	_ =	shalt  }
0x78: {  	_ =	shalt  }
0x79: {  	_ =	shalt  }
0x7a: {  	_ =	shalt  }
0x7b: {  	_ =	shalt  }
0x7c: {  	_ =	shalt  }
0x7d: {  	_ =	shalt  }
0x7e: {  	_ =	shalt  }
0x7f: {  	_ =	shalt  }
0x80: {  	_ =	shalt  }
0x81: {  	_ =	shalt  }
0x82: {  	_ =	shalt  }
0x83: {  	_ =	shalt  }
0x84: {  	_ =	shalt  }
0x85: {  	_ =	shalt  }
0x86: {  	_ =	shalt  }
0x87: {  	_ =	shalt  }
.Lfunc_end0:
.L_simem_size_0:
called_computation_lowered:
.L_overlay_start_0:
0x88: {  	s2 =	sld [smem:$0x3FD9]  }
0x89: {  	s3 =	sld [smem:$0x3FFE];
	_ =	sdelay $0x1  }
0x8a: {  	s1 =	srdreg.scid  }
0x8b: {  	s0 =	sand.u32 $0x1, s1  }
0x8c: {  	s17 =	sshll.u32 s0, $0xA;
	s2 =	sadd.s32 s3, s2  }
0x8d: {  	s2 =	sadd.s32 s2, s17  }
0x8e: {  	[smem:$0x3FC4] =	sst s2  }
0x8f: {  	_ = 	snop  }
0x90: {  	s2 =	sld [smem:$0x3FC7]  }
0x91: {  	s18 =	sld [smem:$0x3FC6]  }
0x92: {  	s4 =	sld [smem:$0x3FD0];
	(tm) =	ssettm $0x1  }
0x93: {  	s5 =	sld [smem:$0x3FFB];
	_ =	sdelay $0x3  }
0x94: {  	_ =	strace s5  }
0x95: {  	s5 =	sld [smem:$0x3FFC];
	_ =	sdelay $0x3  }
0x96: {  	_ =	strace s5  }
0x97: {  	s5 =	sld [smem:$0x3FFD];
	_ =	sdelay $0x3  }
0x98: {  	_ =	strace s5  }
0x99: {  	_ =	strace $0x8FFFFFFF  }
0x9a: {  	s19 =	sld [smem:$0x3FDB];
	_ =	sdelay $0x1  }
0x9b: {  	s6 =	simm.s32 $_scs_section_size  }
0x9c: {  	s7 =	simm.s32 $_size__tile_overlayer_lowered;
	s8 =	simm.s32 $_tile_overlayer_lowered  }
0x9d: {  	s22 =	simm.s32 $0x1BFF;
	s21 =	sshll.u32 s8, $0x1;
	s5 =	sadd.s32 s6, s19  }
0x9e: {  	s9 =	simm.s32 $0x0;
	s20 =	sshll.u32 s7, $0x1;
	s7 =	sadd.s32 s21, s5  }
0x9f: {  	[timem:s9], [sflag:s22] =	dma.local [hbm:s7], s20  }
0xa0: {  	_ =	swait.ge [sflag:s22], s20  }
0xa1: {  	s6 =	ssub.s32 $0x0, s20;
	[sflag:s22] =	ssyncset.done $0x0  }
0xa2: {  	[sflag:s22] =	ssyncadd.s32 s6;
	_ =	sdelay $0x1  }
0xa3: {  	s23 =	simm.s32 $0x1B8B  }
0xa4: {  	_ =	swait.ge [sflag:s23], $0x1  }
0xa5: {  	[sflag:s23] =	ssyncset.done $0x0  }
0xa6: {  	s25 =	simm.s32 $0x1B8E;
	s24 =	sld [smem:$0x3FFE];
	[sflag:s23] =	ssyncadd.s32 $0xFFFFFFFF  }
0xa7: {  	s26 =	simm.s32 $execute0_lowered;
	[smem:$0x3FD2] =	sst s25  }
0xa8: {  	s7 =	sshll.u32 s26, $0x1;
	_ =	strace $0x80000046;
	[dreg:$0x1] =	wrdreg $0xFFFFFFFF  }
0xa9: {  	s28 =	simm.s32 $_size_execute0_lowered;
	s5 =	sadd.s32 s5, s7;
	[dreg:$0x0] =	wrdreg $0x0  }
0xaa: {  	s7 =	sshll.u32 s28, $0x1;
	[dreg:$0x2] =	wrdreg s5  }
0xab: {  	[dreg:$0x3] =	wrdreg s7  }
0xac: {  	[dreg:$0x4] =	wrdreg $0xC0  }
0xad: {  	_ =	task [dreg:s9], $0x5FFFF  }
0xae: {  	[dreg:$0x1] =	wrdreg $0xFFFFFFFF  }
0xaf: {  	[dreg:$0x0] =	wrdreg $0x60  }
0xb0: {  	[dreg:$0x2] =	wrdreg s24  }
0xb1: {  	[dreg:$0x3] =	wrdreg s2  }
0xb2: {  	[dreg:$0x4] =	wrdreg s18  }
0xb3: {  	[dreg:$0x5] =	wrdreg s4  }
0xb4: {  	[dreg:$0x6] =	wrdreg $0x9  }
0xb5: {  	_ =	task.clear_ibuf [dreg:s9], $0x7FFFF;
	_ =	strace $0x90000046  }
0xb6: {  	s29 =	simm.s32 $0x9;
	_ =	strace $0x80000048  }
0xb7: {  	_ =	swait.ge [sflag:s29], $0x1  }
0xb8: {  	[sflag:s29] =	ssyncadd.s32 $0xFFFFFFFF  }
0xb9: {  	_ =	strace $0x90000048  }
0xba: {  	_ =	sfence  }
0xbb: {  	s30 =	sld [smem:$0x0];
	_ =	sdelay $0x2  }
0xbc: {  	s31 =	sshll.u32 s1, $0xD;
	s1 =	sshrl.u32 s1, $0x2  }
0xbd: {  	s3 =	sand.u32 $0x4000, s31;
	s1 =	sadd.s32 s1, s30  }
0xbe: {  	s0 =	sor.u32 s3, s0;
	s1 =	sshll.u32 s1, $0x11  }
0xbf: {  	s0 =	sor.u32 s1, s0  }
0xc0: {  	s0 =	sadd.s32 $0x8F2B, s0  }
0xc1: {  	[sflag:s0] =	ssyncadd.remote.s32 $0x1  }
0xc2: {  	_ =	sfence.sel $0xFFFF  }
0xc3: {  	[dreg:$0x0] =	wrdreg $0xFFFFFFFF;
	(pc) =	sbr.abs _section_cstart, $3  }
0xc4: {  	[dreg:$0x1] =	wrdreg $0xFFFFFFFF  }
0xc5: {  	_ =	task.clear_ibuf [dreg:s9], $0x2FFFF;
	_ =	strace $0x9FFFFFFF  }
0xc6: {  	(tm) =	ssettm $0x7FFFFFFF  }
0xc7: {  	_ =	shalt  }
tec
execute0_lowered:
.L_overlay_start_1:
0x0: {  	(tag) =	ssettag $0x1  }
0x1: {  	s4 =	rddreg [dreg:$0x0]  }
0x2: {  	s5 =	rddreg [dreg:$0x1]  }
0x3: {  	s6 =	rddreg [dreg:$0x2]  }
0x4: {  	s7 =	rddreg [dreg:$0x3]  }
0x5: {  	s0 =	rddreg [dreg:$0x4];
	s3 =	srdreg.scid  }
0x6: {  	s1 =	stileid.u32;
	s2 =	simm.s32 $0x0;
	s11 =	simm.s32 $0x50  }
0x7: {  	s12 =	simm.s32 $0x4E20;
	s13 =	simm.s32 $0x6220;
	s14 =	simm.s32 $0x7620  }
0x8: {  	s15 =	simm.s32 $0x8A20;
	s16 =	simm.s32 $0x1;
	s17 =	simm.s32 $0x2  }
0x9: {  	s18 =	simm.s32 $0x3;
	s19 =	simm.s32 $0x4;
	s20 =	simm.s32 $0x9E20  }
0xa: {  	s21 =	simm.s32 $0x0;
	s3 =	sand.u32 $0x1, s3;
	s8 =	sshll.u32 s1, $0x1  }
0xb: {  	v0 =	vlaneseq.u32;
	[smem:$0x7FF] =	sst s2;
	s8 =	sor.u32 s3, s8;
	s9 =	ssub.s32 $0x2, s3  }
0xc: {  	v1 =	vmul.u32 $0x40, v0;
	_ =	strace $0x80000047;
	s8 =	smul.u32 $0x4E2, s8;
	s10 =	sshrl.u32 s9, $0x1  }
0xd: {  	s3 =	sadd.s32 $0x600, s4;
	s4 =	sadd.s32 $0x14000, s4;
	s9 =	ssub.s32 s9, s10  }
0xe: {  	v2 =	vor.u32 $0x400, v1;
	s10 =	simm.s32 $0x2710;
	s5 =	sadd.s32 s5, s8;
	s6 =	sadd.s32 s6, s8  }
0xf: {  	v3 =	vor.u32 $0x800, v1;
	v4 =	vor.u32 $0xC00, v1;
	v5 =	vor.u32 $0x1000, v1;
	s7 =	sadd.s32 s7, s8;
	s8 =	smax.u32 s9, $0x1;
	s9 =	simm.s32 $0x5  }
.LBB2_1:
0x10: {  	[tilespmem:s2], [sflag:$0x5] =	stream.linear.gather [hbm4b:s5+s2], $0x2710, $0x38;
	[tilespmem:$0xC530] =	vst v63  }
0x11: {  	_ =	swait.ge [sflag:s9], $0x2710  }
0x12: {  	[sflag:s9] =	ssyncset.done $0x0  }
0x13: {  	[sflag:s9] =	ssyncadd.s32 $0xFFFFD8F0  }
0x14: {  	[tilespmem:s10], [sflag:$0x5] =	stream.linear.gather [hbm4b:s6+s2], $0x2710, $0x38;
	[tilespmem:$0xC530] =	vst v63  }
0x15: {  	_ =	swait.ge [sflag:s9], $0x2710  }
0x16: {  	[sflag:s9] =	ssyncset.done $0x0  }
0x17: {  	[sflag:s9] =	ssyncadd.s32 $0xFFFFD8F0  }
0x18: {  	[tilespmem:s12], [sflag:$0x1] =	stream.indirect.gather [hbm4b:s3+s11], $0x40, s2, s11, $0xb8;
	[tilespmem:$0xC530] =	vst v63  }
0x19: {  	s22 =	simm.s32 $0x0  }
0x1a: {  	[tilespmem:s13], [sflag:$0x2] =	stream.indirect.gather [hbm4b:s4+s11], $0x40, s10, s11, $0xb8;
	[tilespmem:$0xC530] =	vst v63  }
.LBB2_2:
0x1b: {  	s23 =	smul.u32 $0xA0, s22;
	_ =	sdelay $0x1  }
0x1c: {  	s24 =	sadd.s32 $0x50, s23  }
0x1d: {  	[tilespmem:s14], [sflag:$0x3] =	stream.indirect.gather [hbm4b:s3+s11], $0x40, s24, s11, $0xb8;
	[tilespmem:$0xC530] =	vst v63  }
0x1e: {  	s26 =	simm.s32 $0x0;
	s25 =	sadd.s32 $0x2760, s23  }
0x1f: {  	v6 =	vadd.s32 s26, v0;
	[tilespmem:s15], [sflag:$0x4] =	stream.indirect.gather [hbm4b:s4+s11], $0x40, s25, s11, $0xb8;
	[tilespmem:$0xC530] =	vst v63  }
0x20: {  	s28 =	simm.s32 $0x1;
	v6 =	vand.u32 $0x3F, v6;
	_ =	swait.ge [sflag:s16], $0x1400  }
0x21: {  	v8 =	vadd.s32 s28, v0;
	v7 =	vor.u32 v5, v6;
	[sflag:s16] =	ssyncset.done $0x0  }
0x22: {  	s29 =	simm.s32 $0x2;
	v8 =	vand.u32 $0x3F, v8;
	[sflag:s16] =	ssyncadd.s32 $0xFFFFEC00  }
0x23: {  	v10 =	vadd.s32 s29, v0;
	v9 =	vor.u32 v5, v8;
	_ =	swait.ge [sflag:s17], $0x1400  }
0x24: {  	s30 =	simm.s32 $0x3;
	v10 =	vand.u32 $0x3F, v10;
	[sflag:s17] =	ssyncset.done $0x0  }
0x25: {  	v12 =	vadd.s32 s30, v0;
	v11 =	vor.u32 v5, v10;
	[sflag:s17] =	ssyncadd.s32 $0xFFFFEC00  }
0x26: {  	v14 =	vand.u32 $0x3F, v12;
	v13 =	vld.idx.msk [tilespmem:v7+s12+$0x0], $0xffff  }
0x27: {  	v12 =	vor.u32 v5, v14;
	v7 =	vld.idx.msk [tilespmem:v7+s13+$0x0], $0xffff  }
0x28: {  	v15 =	vld.idx.msk [tilespmem:v9+s12+$0x0], $0xffff  }
0x29: {  	v16 =	vor.u32 v1, v8;
	v9 =	vld.idx.msk [tilespmem:v9+s13+$0x0], $0xffff  }
0x2a: {  	v17 =	vld.idx.msk [tilespmem:v11+s12+$0x0], $0xffff  }
0x2b: {  	v18 =	vor.u32 v2, v8;
	v11 =	vld.idx.msk [tilespmem:v11+s13+$0x0], $0xffff  }
0x2c: {  	v19 =	vld.idx.msk [tilespmem:v12+s12+$0x0], $0xffff  }
0x2d: {  	v20 =	vor.u32 v3, v8;
	v12 =	vld.idx.msk [tilespmem:v12+s13+$0x0], $0xffff  }
0x2e: {  	v21 =	vld.idx.msk [tilespmem:v16+s12+$0x0], $0xffff  }
0x2f: {  	v8 =	vor.u32 v4, v8;
	v16 =	vld.idx.msk [tilespmem:v16+s13+$0x0], $0xffff  }
0x30: {  	v22 =	vld.idx.msk [tilespmem:v18+s12+$0x0], $0xffff  }
0x31: {  	v23 =	vor.u32 v1, v6;
	v18 =	vld.idx.msk [tilespmem:v18+s13+$0x0], $0xffff  }
0x32: {  	v24 =	vld.idx.msk [tilespmem:v20+s12+$0x0], $0xffff  }
0x33: {  	v25 =	vor.u32 v2, v6;
	v27 =	vor.u32 v3, v6;
	v6 =	vor.u32 v4, v6;
	v20 =	vld.idx.msk [tilespmem:v20+s13+$0x0], $0xffff  }
0x34: {  	v26 =	vld.idx.msk [tilespmem:v8+s12+$0x0], $0xffff  }
0x35: {  	v8 =	vld.idx.msk [tilespmem:v8+s13+$0x0], $0xffff  }
0x36: {  	v29 =	vor.u32 v3, v10;
	v28 =	vld.idx.msk [tilespmem:v23+s12+$0x0], $0xffff  }
0x37: {  	v23 =	vld.idx.msk [tilespmem:v23+s13+$0x0], $0xffff  }
0x38: {  	v30 =	vld.idx.msk [tilespmem:v6+s13+$0x0], $0xffff  }
0x39: {  	v7 =	vmul.bf16 v7, v13;
	v13 =	vld.idx.msk [tilespmem:v25+s12+$0x0], $0xffff  }
0x3a: {  	v9 =	vmul.bf16 v9, v15;
	v15 =	vor.u32 v1, v10;
	v25 =	vld.idx.msk [tilespmem:v25+s13+$0x0], $0xffff;
	v16 =	vmul.bf16 v16, v21  }
0x3b: {  	v21 =	vmul.bf16 v18, v22;
	v22 =	vmul.bf16 v20, v24;
	v20 =	vld.idx.msk [tilespmem:v29+s13+$0x0], $0xffff  }
0x3c: {  	v7 =	vadd.bf16 v9, v7;
	v9 =	vmul.bf16 v11, v17;
	v17 =	vld.idx.msk [tilespmem:v27+s12+$0x0], $0xffff;
	v11 =	vor.u32 v2, v10  }
0x3d: {  	v27 =	vld.idx.msk [tilespmem:v27+s13+$0x0], $0xffff  }
0x3e: {  	v34 =	vor.u32 v2, v14;
	v7 =	vadd.bf16 v9, v7;
	v9 =	vmul.bf16 v12, v19;
	v19 =	vld.idx.msk [tilespmem:v6+s12+$0x0], $0xffff  }
0x3f: {  	v10 =	vor.u32 v4, v10;
	v32 =	vld.idx.msk [tilespmem:v15+s13+$0x0], $0xffff  }
0x40: {  	v31 =	vor.u32 v1, v14;
	v6 =	vadd.bf16 v9, v7;
	v9 =	vld.idx.msk [tilespmem:v15+s12+$0x0], $0xffff  }
0x41: {  	v8 =	vmul.bf16 v8, v26;
	v13 =	vmul.bf16 v25, v13;
	v7 =	vimm.f32 $0.0e+00;
	v33 =	vld.idx.msk [tilespmem:v11+s12+$0x0], $0xffff  }
0x42: {  	v35 =	vld.idx.msk [tilespmem:v11+s13+$0x0], $0xffff;
	v11 =	vor.u32 v4, v14;
	v12 =	vunpack.i.u.bf16.f32 v6;
	v6 =	vunpack.i.l.bf16.f32 v6  }
0x43: {  	v25 =	vld.idx.msk [tilespmem:v34+s12+$0x0], $0xffff;
	v6 =	vadd.f32 v6, v12;
	v12 =	vor.u32 v3, v14;
	v14 =	vmul.bf16 v23, v28  }
0x44: {  	s31 =	simm.s32 $0x5;
	v18 =	vld.idx.msk [tilespmem:v10+s12+$0x0], $0xffff;
	v23 =	vmul.bf16 v27, v17;
	v19 =	vmul.bf16 v30, v19;
	v17 =	vadd.bf16 v21, v13  }
0x45: {  	v21 =	vld.idx.msk [tilespmem:v10+s13+$0x0], $0xffff;
	v30 =	vadd.s32 s31, v0;
	v10 =	vimm.f32 $0.0e+00;
	v6 =	vadd.f32 v6, v7  }
0x46: {  	s25 =	simm.s32 $0x4;
	v15 =	vld.idx.msk [tilespmem:v29+s12+$0x0], $0xffff;
	v24 =	vadd.bf16 v16, v14;
	v9 =	vmul.bf16 v32, v9;
	v16 =	vadd.bf16 v22, v23  }
0x47: {  	v27 =	vld.idx.msk [tilespmem:v34+s13+$0x0], $0xffff;
	v14 =	vadd.bf16 v8, v19;
	v8 =	vadd.s32 s25, v0;
	v26 =	vmul.bf16 v35, v33  }
0x48: {  	v22 =	vld.idx.msk [tilespmem:v31+s12+$0x0], $0xffff;
	v28 =	vand.u32 $0x3F, v8;
	v8 =	vimm.f32 $0.0e+00;
	v19 =	vadd.bf16 v9, v24  }
0x49: {  	s26 =	simm.s32 $0x8;
	v24 =	vld.idx.msk [tilespmem:v31+s13+$0x0], $0xffff;
	v13 =	vor.u32 v1, v28;
	v29 =	vor.u32 v5, v28;
	v9 =	vimm.f32 $0.0e+00  }
.LBB2_3:
0x4a: {  	p0 =	sne.s32 s26, $0x3C;
	v31 =	vor.u32 v2, v28;
	v32 =	vor.u32 v3, v28;
	v23 =	vand.u32 $0x3F, v30;
	s28 =	sadd.s32 $0x2, s25;
	v30 =	vld.idx.msk [tilespmem:v12+s12+$0x0], $0xffff  }
0x4b: {  	v33 =	vor.u32 v1, v23;
	v34 =	vor.u32 v5, v23;
	v35 =	vadd.s32 s28, v0;
	v36 =	vld.idx.msk [tilespmem:v12+s13+$0x0], $0xffff  }
0x4c: {  	v37 =	vor.u32 v2, v23;
	v38 =	vor.u32 v3, v23;
	s28 =	sadd.s32 $0x3, s25;
	s25 =	smov.u32 s26;
	v12 =	vand.u32 $0x3F, v35;
	v35 =	vld.idx.msk [tilespmem:v11+s12+$0x0], $0xffff  }
0x4d: {  	v39 =	vor.u32 v4, v23;
	v23 =	vadd.s32 s28, v0;
	v40 =	vor.u32 v5, v12;
	v41 =	vld.idx.msk [tilespmem:v11+s13+$0x0], $0xffff  }
0x4e: {  	v28 =	vor.u32 v4, v28;
	v43 =	vor.u32 v1, v12;
	v11 =	vand.u32 $0x3F, v23;
	v42 =	vld.idx.msk [tilespmem:v29+s12+$0x0], $0xffff  }
0x4f: {  	v44 =	vor.u32 v2, v12;
	v45 =	vor.u32 v3, v12;
	v46 =	vor.u32 v5, v11;
	v29 =	vld.idx.msk [tilespmem:v29+s13+$0x0], $0xffff  }
0x50: {  	v48 =	vor.u32 v4, v12;
	v49 =	vor.u32 v1, v11;
	v23 =	vor.u32 v2, v11;
	v47 =	vld.idx.msk [tilespmem:v34+s12+$0x0], $0xffff  }
0x51: {  	v15 =	vmul.bf16 v20, v15;
	v12 =	vor.u32 v3, v11;
	v11 =	vor.u32 v4, v11;
	v34 =	vld.idx.msk [tilespmem:v34+s13+$0x0], $0xffff  }
0x52: {  	v17 =	vadd.bf16 v26, v17;
	v18 =	vmul.bf16 v21, v18;
	v21 =	vmul.bf16 v24, v22;
	v20 =	vld.idx.msk [tilespmem:v40+s12+$0x0], $0xffff  }
0x53: {  	v15 =	vadd.bf16 v15, v16;
	v16 =	vmul.bf16 v27, v25;
	v24 =	vmul.bf16 v36, v30;
	v22 =	vld.idx.msk [tilespmem:v40+s13+$0x0], $0xffff  }
0x54: {  	v14 =	vadd.bf16 v18, v14;
	v18 =	vadd.bf16 v21, v19;
	v19 =	vmul.bf16 v41, v35;
	v25 =	vld.idx.msk [tilespmem:v46+s12+$0x0], $0xffff  }
0x55: {  	v16 =	vadd.bf16 v16, v17;
	v15 =	vadd.bf16 v24, v15;
	v21 =	vld.idx.msk [tilespmem:v46+s13+$0x0], $0xffff  }
0x56: {  	v14 =	vadd.bf16 v19, v14;
	v19 =	vunpack.i.u.bf16.f32 v18;
	v18 =	vunpack.i.l.bf16.f32 v18;
	v17 =	vld.idx.msk [tilespmem:v33+s12+$0x0], $0xffff  }
0x57: {  	v24 =	vmul.bf16 v29, v42;
	v29 =	vunpack.i.u.bf16.f32 v16;
	v27 =	vmul.bf16 v34, v47;
	v26 =	vld.idx.msk [tilespmem:v33+s13+$0x0], $0xffff  }
0x58: {  	v16 =	vunpack.i.l.bf16.f32 v16;
	v33 =	vunpack.i.u.bf16.f32 v15;
	v15 =	vunpack.i.l.bf16.f32 v15;
	v30 =	vld.idx.msk [tilespmem:v37+s12+$0x0], $0xffff  }
0x59: {  	v24 =	vadd.bf16 v27, v24;
	v20 =	vmul.bf16 v22, v20;
	v22 =	vunpack.i.u.bf16.f32 v14;
	v34 =	vld.idx.msk [tilespmem:v37+s13+$0x0], $0xffff  }
0x5a: {  	v18 =	vadd.f32 v18, v19;
	v16 =	vadd.f32 v16, v29;
	v14 =	vunpack.i.l.bf16.f32 v14;
	v27 =	vld.idx.msk [tilespmem:v38+s12+$0x0], $0xffff  }
0x5b: {  	v15 =	vadd.f32 v15, v33;
	v20 =	vadd.bf16 v20, v24;
	v21 =	vmul.bf16 v21, v25;
	v19 =	vld.idx.msk [tilespmem:v38+s13+$0x0], $0xffff  }
0x5c: {  	v7 =	vadd.f32 v18, v7;
	v14 =	vadd.f32 v14, v22;
	v24 =	vld.idx.msk [tilespmem:v39+s12+$0x0], $0xffff  }
0x5d: {  	v10 =	vadd.f32 v16, v10;
	v17 =	vmul.bf16 v26, v17;
	v20 =	vadd.bf16 v21, v20;
	v18 =	vld.idx.msk [tilespmem:v39+s13+$0x0], $0xffff  }
0x5e: {  	v9 =	vadd.f32 v15, v9;
	v8 =	vadd.f32 v14, v8;
	v16 =	vld.idx.msk [tilespmem:v13+s12+$0x0], $0xffff  }
0x5f: {  	v14 =	vmul.bf16 v34, v30;
	v15 =	vunpack.i.u.bf16.f32 v20;
	v20 =	vunpack.i.l.bf16.f32 v20;
	v13 =	vld.idx.msk [tilespmem:v13+s13+$0x0], $0xffff  }
0x60: {  	v15 =	vadd.f32 v20, v15;
	v21 =	vld.idx.msk [tilespmem:v31+s12+$0x0], $0xffff  }
0x61: {  	v19 =	vmul.bf16 v19, v27;
	v20 =	vld.idx.msk [tilespmem:v31+s13+$0x0], $0xffff  }
0x62: {  	v6 =	vadd.f32 v15, v6;
	v22 =	vld.idx.msk [tilespmem:v32+s12+$0x0], $0xffff  }
0x63: {  	v24 =	vmul.bf16 v18, v24;
	v15 =	vld.idx.msk [tilespmem:v32+s13+$0x0], $0xffff  }
0x64: {  	v18 =	vld.idx.msk [tilespmem:v28+s12+$0x0], $0xffff  }
0x65: {  	v13 =	vmul.bf16 v13, v16;
	v16 =	vld.idx.msk [tilespmem:v28+s13+$0x0], $0xffff  }
0x66: {  	v25 =	vld.idx.msk [tilespmem:v43+s12+$0x0], $0xffff  }
0x67: {  	v20 =	vmul.bf16 v20, v21;
	v13 =	vadd.bf16 v17, v13;
	v21 =	vld.idx.msk [tilespmem:v43+s13+$0x0], $0xffff  }
0x68: {  	v26 =	vld.idx.msk [tilespmem:v44+s12+$0x0], $0xffff  }
0x69: {  	v22 =	vmul.bf16 v15, v22;
	v17 =	vadd.bf16 v14, v20;
	v27 =	vld.idx.msk [tilespmem:v44+s13+$0x0], $0xffff  }
0x6a: {  	v15 =	vld.idx.msk [tilespmem:v45+s12+$0x0], $0xffff  }
0x6b: {  	v14 =	vmul.bf16 v16, v18;
	v16 =	vadd.bf16 v19, v22;
	v20 =	vld.idx.msk [tilespmem:v45+s13+$0x0], $0xffff  }
0x6c: {  	v18 =	vld.idx.msk [tilespmem:v48+s12+$0x0], $0xffff  }
.Ltmp0:
0x6d: {  	v14 =	vadd.bf16 v24, v14;
	v19 =	vmul.bf16 v21, v25;
	v21 =	vld.idx.msk [tilespmem:v48+s13+$0x0], $0xffff;
	(pc) =	sbr.rel @p0 .LBB2_3-.Ltmp0, $4  }
0x6e: {  	v22 =	vld.idx.msk [tilespmem:v49+s12+$0x0], $0xffff  }
0x6f: {  	v25 =	vadd.s32 s26, v0;
	v19 =	vadd.bf16 v19, v13;
	v26 =	vmul.bf16 v27, v26;
	v24 =	vld.idx.msk [tilespmem:v49+s13+$0x0], $0xffff  }
0x70: {  	s28 =	sadd.s32 $0x1, s26;
	v28 =	vand.u32 $0x3F, v25;
	v25 =	vld.idx.msk [tilespmem:v23+s12+$0x0], $0xffff  }
0x71: {  	v30 =	vadd.s32 s28, v0;
	s26 =	sadd.s32 $0x4, s26;
	v13 =	vor.u32 v1, v28;
	v29 =	vor.u32 v5, v28;
	v27 =	vld.idx.msk [tilespmem:v23+s13+$0x0], $0xffff  }
0x72: {  	_ =	sdelay $0x3  }
0x73: {  	v23 =	vand.u32 $0x3F, v30;
	v30 =	vld.idx.msk [tilespmem:v12+s12+$0x0], $0xffff  }
0x74: {  	v12 =	vld.idx.msk [tilespmem:v12+s13+$0x0], $0xffff  }
0x75: {  	v33 =	vld.idx.msk [tilespmem:v11+s12+$0x0], $0xffff  }
0x76: {  	v11 =	vld.idx.msk [tilespmem:v11+s13+$0x0], $0xffff;
	v47 =	vor.u32 v2, v28  }
0x77: {  	v36 =	vld.idx.msk [tilespmem:v29+s12+$0x0], $0xffff  }
0x78: {  	v29 =	vld.idx.msk [tilespmem:v29+s13+$0x0], $0xffff;
	v49 =	vor.u32 v3, v28  }
0x79: {  	v50 =	vld.idx.msk [tilespmem:v13+s12+$0x0], $0xffff  }
0x7a: {  	v28 =	vor.u32 v4, v28;
	v13 =	vld.idx.msk [tilespmem:v13+s13+$0x0], $0xffff  }
0x7b: {  	v51 =	vld.idx.msk [tilespmem:v47+s12+$0x0], $0xffff  }
0x7c: {  	v31 =	vor.u32 v5, v23;
	v47 =	vld.idx.msk [tilespmem:v47+s13+$0x0], $0xffff  }
0x7d: {  	v53 =	vld.idx.msk [tilespmem:v49+s12+$0x0], $0xffff  }
0x7e: {  	v39 =	vor.u32 v1, v23;
	v49 =	vld.idx.msk [tilespmem:v49+s13+$0x0], $0xffff  }
0x7f: {  	v15 =	vmul.bf16 v20, v15;
	v20 =	vld.idx.msk [tilespmem:v28+s12+$0x0], $0xffff  }
0x80: {  	v41 =	vor.u32 v2, v23;
	v28 =	vld.idx.msk [tilespmem:v28+s13+$0x0], $0xffff  }
0x81: {  	v38 =	vld.idx.msk [tilespmem:v31+s12+$0x0], $0xffff  }
0x82: {  	v43 =	vor.u32 v3, v23;
	v31 =	vld.idx.msk [tilespmem:v31+s13+$0x0], $0xffff  }
0x83: {  	s26 =	sadd.s32 $0x2, s25;
	v44 =	vld.idx.msk [tilespmem:v39+s12+$0x0], $0xffff  }
0x84: {  	v32 =	vadd.s32 s26, v0;
	v23 =	vor.u32 v4, v23;
	v39 =	vld.idx.msk [tilespmem:v39+s13+$0x0], $0xffff  }
0x85: {  	s28 =	sadd.s32 $0x3, s25;
	v32 =	vand.u32 $0x3F, v32;
	v45 =	vld.idx.msk [tilespmem:v41+s12+$0x0], $0xffff  }
0x86: {  	v35 =	vadd.s32 s28, v0;
	v34 =	vor.u32 v5, v32;
	v41 =	vld.idx.msk [tilespmem:v41+s13+$0x0], $0xffff  }
0x87: {  	v35 =	vand.u32 $0x3F, v35;
	v46 =	vld.idx.msk [tilespmem:v43+s12+$0x0], $0xffff  }
0x88: {  	v37 =	vor.u32 v5, v35;
	v43 =	vld.idx.msk [tilespmem:v43+s13+$0x0], $0xffff  }
0x89: {  	v48 =	vld.idx.msk [tilespmem:v23+s12+$0x0], $0xffff  }
0x8a: {  	v52 =	vor.u32 v1, v32;
	v23 =	vld.idx.msk [tilespmem:v23+s13+$0x0], $0xffff  }
0x8b: {  	v40 =	vld.idx.msk [tilespmem:v34+s12+$0x0], $0xffff  }
0x8c: {  	v54 =	vor.u32 v2, v32;
	v34 =	vld.idx.msk [tilespmem:v34+s13+$0x0], $0xffff  }
0x8d: {  	v42 =	vld.idx.msk [tilespmem:v37+s12+$0x0], $0xffff  }
0x8e: {  	v17 =	vadd.bf16 v26, v17;
	v18 =	vmul.bf16 v21, v18;
	v26 =	vor.u32 v3, v32;
	v37 =	vld.idx.msk [tilespmem:v37+s13+$0x0], $0xffff  }
0x8f: {  	v21 =	vmul.bf16 v24, v22;
	v15 =	vadd.bf16 v15, v16;
	v16 =	vld.idx.msk [tilespmem:v52+s12+$0x0], $0xffff  }
0x90: {  	v14 =	vadd.bf16 v18, v14;
	v55 =	vor.u32 v4, v35;
	v22 =	vmul.bf16 v27, v25;
	v25 =	vld.idx.msk [tilespmem:v52+s13+$0x0], $0xffff  }
0x91: {  	v18 =	vadd.bf16 v21, v19;
	v21 =	vor.u32 v1, v35;
	v12 =	vmul.bf16 v12, v30;
	v19 =	vld.idx.msk [tilespmem:v54+s12+$0x0], $0xffff  }
0x92: {  	v24 =	vor.u32 v4, v32;
	v11 =	vmul.bf16 v11, v33;
	v29 =	vmul.bf16 v29, v36;
	v27 =	vld.idx.msk [tilespmem:v54+s13+$0x0], $0xffff  }
0x93: {  	v17 =	vadd.bf16 v22, v17;
	v22 =	vor.u32 v2, v35;
	v12 =	vadd.bf16 v12, v15;
	v54 =	vld.idx.msk [tilespmem:v26+s12+$0x0], $0xffff  }
0x94: {  	v11 =	vadd.bf16 v11, v14;
	v15 =	vunpack.i.u.bf16.f32 v18;
	v18 =	vunpack.i.l.bf16.f32 v18;
	v14 =	vld.idx.msk [tilespmem:v26+s13+$0x0], $0xffff  }
0x95: {  	v15 =	vadd.f32 v18, v15;
	v59 =	vld.idx.msk [tilespmem:v55+s12+$0x0], $0xffff;
	v56 =	vunpack.i.u.bf16.f32 v12;
	v12 =	vunpack.i.l.bf16.f32 v12  }
0x96: {  	v30 =	vor.u32 v3, v35;
	v13 =	vmul.bf16 v13, v50;
	v18 =	vld.idx.msk [tilespmem:v21+s12+$0x0], $0xffff;
	v12 =	vadd.f32 v12, v56  }
0x97: {  	v21 =	vld.idx.msk [tilespmem:v21+s13+$0x0], $0xffff;
	v7 =	vadd.f32 v15, v7;
	v20 =	vmul.bf16 v28, v20;
	v31 =	vmul.bf16 v31, v38  }
0x98: {  	v28 =	vld.idx.msk [tilespmem:v55+s13+$0x0], $0xffff;
	v15 =	vmul.bf16 v39, v44;
	v9 =	vadd.f32 v12, v9;
	v12 =	vmul.bf16 v43, v46  }
0x99: {  	v58 =	vld.idx.msk [tilespmem:v22+s12+$0x0], $0xffff;
	v26 =	vadd.bf16 v31, v29;
	v31 =	vunpack.i.u.bf16.f32 v17;
	v17 =	vunpack.i.l.bf16.f32 v17  }
0x9a: {  	v22 =	vld.idx.msk [tilespmem:v22+s13+$0x0], $0xffff;
	v34 =	vmul.bf16 v34, v40;
	v57 =	vmul.bf16 v37, v42;
	v13 =	vadd.bf16 v15, v13  }
0x9b: {  	v29 =	vld.idx.msk [tilespmem:v24+s12+$0x0], $0xffff;
	v17 =	vadd.f32 v17, v31;
	v31 =	vunpack.i.u.bf16.f32 v11;
	v11 =	vunpack.i.l.bf16.f32 v11  }
0x9c: {  	v24 =	vld.idx.msk [tilespmem:v24+s13+$0x0], $0xffff;
	v15 =	vmul.bf16 v49, v53;
	v16 =	vmul.bf16 v25, v16;
	v11 =	vadd.f32 v11, v31  }
0x9d: {  	v26 =	vadd.bf16 v34, v26;
	v31 =	vld.idx.msk [tilespmem:v30+s12+$0x0], $0xffff;
	v10 =	vadd.f32 v17, v10;
	v17 =	vmul.bf16 v41, v45  }
0x9e: {  	v30 =	vld.idx.msk [tilespmem:v30+s13+$0x0], $0xffff;
	v8 =	vadd.f32 v11, v8;
	v11 =	vmul.bf16 v23, v48;
	v23 =	vmul.bf16 v47, v51  }
0x9f: {  	v14 =	vmul.bf16 v14, v54;
	v12 =	vadd.bf16 v12, v15;
	v13 =	vadd.bf16 v16, v13  }
0xa0: {  	v19 =	vmul.bf16 v27, v19;
	v26 =	vadd.bf16 v57, v26;
	v17 =	vadd.bf16 v17, v23  }
0xa1: {  	v12 =	vadd.bf16 v14, v12;
	v16 =	vmul.bf16 v24, v29;
	v11 =	vadd.bf16 v11, v20  }
0xa2: {  	v14 =	vmul.bf16 v22, v58;
	v15 =	vadd.bf16 v19, v17;
	v17 =	vmul.bf16 v21, v18  }
0xa3: {  	v18 =	vmul.bf16 v30, v31;
	v11 =	vadd.bf16 v16, v11;
	v16 =	vmul.bf16 v28, v59  }
0xa4: {  	v13 =	vadd.bf16 v17, v13;
	v14 =	vadd.bf16 v14, v15  }
0xa5: {  	v15 =	vunpack.i.u.bf16.f32 v26;
	v12 =	vadd.bf16 v18, v12;
	v11 =	vadd.bf16 v16, v11  }
0xa6: {  	v16 =	vunpack.i.u.bf16.f32 v13;
	v13 =	vunpack.i.l.bf16.f32 v13;
	v17 =	vunpack.i.u.bf16.f32 v14  }
0xa7: {  	v14 =	vunpack.i.l.bf16.f32 v14;
	v18 =	vunpack.i.u.bf16.f32 v12;
	v13 =	vadd.f32 v13, v16  }
0xa8: {  	v12 =	vunpack.i.l.bf16.f32 v12;
	v16 =	vunpack.i.u.bf16.f32 v11;
	v14 =	vadd.f32 v14, v17  }
0xa9: {  	v11 =	vunpack.i.l.bf16.f32 v11;
	v12 =	vadd.f32 v12, v18;
	v7 =	vadd.f32 v13, v7  }
0xaa: {  	v11 =	vadd.f32 v11, v16;
	v13 =	vunpack.i.l.bf16.f32 v26;
	v10 =	vadd.f32 v14, v10  }
0xab: {  	v9 =	vadd.f32 v12, v9;
	v13 =	vadd.f32 v13, v15;
	[tilespmem:s23+$0x9E20] =	vst v7  }
0xac: {  	v7 =	vadd.f32 v11, v8;
	[tilespmem:s23+$0x9E30] =	vst v10  }
0xad: {  	[tilespmem:s23+$0x9E40] =	vst v9;
	v6 =	vadd.f32 v13, v6  }
0xae: {  	[tilespmem:s23+$0x9E50] =	vst v7  }
0xaf: {  	s29 =	sadd.s32 $0xA0, s23;
	[tilespmem:s23+$0x9E60] =	vst v6  }
0xb0: {  	[tilespmem:s12], [sflag:$0x1] =	stream.indirect.gather [hbm4b:s3+s11], $0x40, s29, s11, $0xb8;
	[tilespmem:$0xC530] =	vst v63  }
0xb1: {  	s30 =	sadd.s32 $0x27B0, s23;
	s31 =	simm.s32 $0x0  }
0xb2: {  	v6 =	vadd.s32 s31, v0;
	[tilespmem:s13], [sflag:$0x2] =	stream.indirect.gather [hbm4b:s4+s11], $0x40, s30, s11, $0xb8;
	[tilespmem:$0xC530] =	vst v63  }
0xb3: {  	s28 =	simm.s32 $0x1;
	v6 =	vand.u32 $0x3F, v6;
	_ =	swait.ge [sflag:s18], $0x1400  }
0xb4: {  	v8 =	vadd.s32 s28, v0;
	v7 =	vor.u32 v5, v6;
	[sflag:s18] =	ssyncset.done $0x0  }
0xb5: {  	v8 =	vand.u32 $0x3F, v8;
	s29 =	simm.s32 $0x2;
	[sflag:s18] =	ssyncadd.s32 $0xFFFFEC00  }
0xb6: {  	v9 =	vor.u32 v5, v8;
	v10 =	vadd.s32 s29, v0;
	_ =	swait.ge [sflag:s19], $0x1400  }
0xb7: {  	v10 =	vand.u32 $0x3F, v10;
	[sflag:s19] =	ssyncset.done $0x0  }
0xb8: {  	v11 =	vor.u32 v5, v10;
	[sflag:s19] =	ssyncadd.s32 $0xFFFFEC00  }
0xb9: {  	v13 =	vld.idx.msk [tilespmem:v7+s14+$0x0], $0xffff  }
0xba: {  	v16 =	vor.u32 v1, v8;
	v7 =	vld.idx.msk [tilespmem:v7+s15+$0x0], $0xffff  }
0xbb: {  	v15 =	vld.idx.msk [tilespmem:v9+s14+$0x0], $0xffff  }
0xbc: {  	v18 =	vor.u32 v2, v8;
	v9 =	vld.idx.msk [tilespmem:v9+s15+$0x0], $0xffff  }
0xbd: {  	v17 =	vld.idx.msk [tilespmem:v11+s14+$0x0], $0xffff  }
0xbe: {  	v20 =	vor.u32 v3, v8;
	v11 =	vld.idx.msk [tilespmem:v11+s15+$0x0], $0xffff  }
0xbf: {  	v21 =	vld.idx.msk [tilespmem:v16+s14+$0x0], $0xffff  }
0xc0: {  	v8 =	vor.u32 v4, v8;
	v16 =	vld.idx.msk [tilespmem:v16+s15+$0x0], $0xffff  }
0xc1: {  	v22 =	vld.idx.msk [tilespmem:v18+s14+$0x0], $0xffff  }
0xc2: {  	v23 =	vor.u32 v1, v6;
	v18 =	vld.idx.msk [tilespmem:v18+s15+$0x0], $0xffff  }
0xc3: {  	s30 =	simm.s32 $0x3;
	v24 =	vld.idx.msk [tilespmem:v20+s14+$0x0], $0xffff  }
0xc4: {  	v25 =	vor.u32 v2, v6;
	v12 =	vadd.s32 s30, v0;
	v20 =	vld.idx.msk [tilespmem:v20+s15+$0x0], $0xffff  }
0xc5: {  	v30 =	vor.u32 v1, v10;
	v14 =	vand.u32 $0x3F, v12;
	v26 =	vld.idx.msk [tilespmem:v8+s14+$0x0], $0xffff  }
0xc6: {  	v12 =	vor.u32 v5, v14;
	v8 =	vld.idx.msk [tilespmem:v8+s15+$0x0], $0xffff  }
0xc7: {  	v28 =	vld.idx.msk [tilespmem:v23+s14+$0x0], $0xffff  }
0xc8: {  	v23 =	vld.idx.msk [tilespmem:v23+s15+$0x0], $0xffff  }
0xc9: {  	v27 =	vor.u32 v3, v6;
	v29 =	vld.idx.msk [tilespmem:v25+s14+$0x0], $0xffff  }
0xca: {  	v31 =	vor.u32 v3, v10;
	v60 =	vld.idx.msk [tilespmem:v30+s14+$0x0], $0xffff  }
0xcb: {  	v19 =	vld.idx.msk [tilespmem:v12+s14+$0x0], $0xffff  }
0xcc: {  	v6 =	vor.u32 v4, v6;
	v12 =	vld.idx.msk [tilespmem:v12+s15+$0x0], $0xffff  }
0xcd: {  	v7 =	vmul.bf16 v7, v13;
	v9 =	vmul.bf16 v9, v15;
	v13 =	vld.idx.msk [tilespmem:v25+s15+$0x0], $0xffff  }
0xce: {  	v25 =	vld.idx.msk [tilespmem:v27+s14+$0x0], $0xffff;
	v15 =	vor.u32 v2, v10;
	v16 =	vmul.bf16 v16, v21;
	v21 =	vmul.bf16 v18, v22  }
0xcf: {  	v22 =	vmul.bf16 v20, v24;
	v20 =	vld.idx.msk [tilespmem:v31+s15+$0x0], $0xffff;
	v7 =	vadd.bf16 v9, v7;
	v9 =	vmul.bf16 v11, v17  }
0xd0: {  	v17 =	vld.idx.msk [tilespmem:v27+s15+$0x0], $0xffff  }
0xd1: {  	v10 =	vor.u32 v4, v10;
	v27 =	vld.idx.msk [tilespmem:v6+s14+$0x0], $0xffff;
	v11 =	vmul.bf16 v12, v19;
	v9 =	vadd.bf16 v9, v7  }
0xd2: {  	v19 =	vld.idx.msk [tilespmem:v6+s15+$0x0], $0xffff  }
0xd3: {  	v61 =	vor.u32 v1, v14;
	v62 =	vor.u32 v2, v14;
	v63 =	vld.idx.msk [tilespmem:v15+s15+$0x0], $0xffff;
	v6 =	vadd.bf16 v11, v9  }
0xd4: {  	v8 =	vmul.bf16 v8, v26;
	v12 =	vor.u32 v3, v14;
	v7 =	vimm.f32 $0.0e+00;
	v9 =	vld.idx.msk [tilespmem:v30+s15+$0x0], $0xffff  }
0xd5: {  	v13 =	vmul.bf16 v13, v29;
	v30 =	vld.idx.msk [tilespmem:v15+s14+$0x0], $0xffff;
	v11 =	vunpack.i.u.bf16.f32 v6;
	v6 =	vunpack.i.l.bf16.f32 v6  }
0xd6: {  	v18 =	vld.idx.msk [tilespmem:v10+s14+$0x0], $0xffff;
	v6 =	vadd.f32 v6, v11;
	v11 =	vor.u32 v4, v14;
	v14 =	vmul.bf16 v23, v28  }
0xd7: {  	v15 =	vld.idx.msk [tilespmem:v31+s14+$0x0], $0xffff;
	v19 =	vmul.bf16 v19, v27;
	v23 =	vmul.bf16 v17, v25;
	v17 =	vadd.bf16 v21, v13  }
0xd8: {  	v21 =	vld.idx.msk [tilespmem:v10+s15+$0x0], $0xffff;
	v10 =	vimm.f32 $0.0e+00;
	v6 =	vadd.f32 v6, v7;
	v24 =	vadd.bf16 v16, v14  }
0xd9: {  	s25 =	simm.s32 $0x4;
	s31 =	simm.s32 $0x5;
	v27 =	vld.idx.msk [tilespmem:v62+s15+$0x0], $0xffff;
	v9 =	vmul.bf16 v9, v60;
	v16 =	vadd.bf16 v22, v23;
	v14 =	vadd.bf16 v8, v19  }
0xda: {  	v25 =	vld.idx.msk [tilespmem:v62+s14+$0x0], $0xffff;
	v8 =	vadd.s32 s25, v0;
	v26 =	vmul.bf16 v63, v30;
	v30 =	vadd.s32 s31, v0  }
0xdb: {  	v22 =	vld.idx.msk [tilespmem:v61+s14+$0x0], $0xffff;
	v28 =	vand.u32 $0x3F, v8;
	v8 =	vimm.f32 $0.0e+00;
	v19 =	vadd.bf16 v9, v24  }
0xdc: {  	s26 =	simm.s32 $0x8;
	v24 =	vld.idx.msk [tilespmem:v61+s15+$0x0], $0xffff;
	v13 =	vor.u32 v1, v28;
	v29 =	vor.u32 v5, v28;
	v9 =	vimm.f32 $0.0e+00  }
.LBB2_5:
0xdd: {  	p0 =	sne.s32 s26, $0x3C;
	v31 =	vor.u32 v2, v28;
	v32 =	vor.u32 v3, v28;
	v23 =	vand.u32 $0x3F, v30;
	s28 =	sadd.s32 $0x2, s25;
	v30 =	vld.idx.msk [tilespmem:v12+s14+$0x0], $0xffff  }
0xde: {  	v33 =	vor.u32 v1, v23;
	v34 =	vor.u32 v5, v23;
	v35 =	vadd.s32 s28, v0;
	v36 =	vld.idx.msk [tilespmem:v12+s15+$0x0], $0xffff  }
0xdf: {  	v37 =	vor.u32 v2, v23;
	v38 =	vor.u32 v3, v23;
	s28 =	sadd.s32 $0x3, s25;
	s25 =	smov.u32 s26;
	v12 =	vand.u32 $0x3F, v35;
	v35 =	vld.idx.msk [tilespmem:v11+s14+$0x0], $0xffff  }
0xe0: {  	v39 =	vor.u32 v4, v23;
	v23 =	vadd.s32 s28, v0;
	v40 =	vor.u32 v5, v12;
	v41 =	vld.idx.msk [tilespmem:v11+s15+$0x0], $0xffff  }
0xe1: {  	v28 =	vor.u32 v4, v28;
	v43 =	vor.u32 v1, v12;
	v11 =	vand.u32 $0x3F, v23;
	v42 =	vld.idx.msk [tilespmem:v29+s14+$0x0], $0xffff  }
0xe2: {  	v44 =	vor.u32 v2, v12;
	v45 =	vor.u32 v3, v12;
	v46 =	vor.u32 v5, v11;
	v29 =	vld.idx.msk [tilespmem:v29+s15+$0x0], $0xffff  }
0xe3: {  	v48 =	vor.u32 v4, v12;
	v49 =	vor.u32 v1, v11;
	v23 =	vor.u32 v2, v11;
	v47 =	vld.idx.msk [tilespmem:v34+s14+$0x0], $0xffff  }
0xe4: {  	v15 =	vmul.bf16 v20, v15;
	v12 =	vor.u32 v3, v11;
	v11 =	vor.u32 v4, v11;
	v34 =	vld.idx.msk [tilespmem:v34+s15+$0x0], $0xffff  }
0xe5: {  	v17 =	vadd.bf16 v26, v17;
	v18 =	vmul.bf16 v21, v18;
	v21 =	vmul.bf16 v24, v22;
	v20 =	vld.idx.msk [tilespmem:v40+s14+$0x0], $0xffff  }
0xe6: {  	v15 =	vadd.bf16 v15, v16;
	v16 =	vmul.bf16 v27, v25;
	v24 =	vmul.bf16 v36, v30;
	v22 =	vld.idx.msk [tilespmem:v40+s15+$0x0], $0xffff  }
0xe7: {  	v14 =	vadd.bf16 v18, v14;
	v18 =	vadd.bf16 v21, v19;
	v19 =	vmul.bf16 v41, v35;
	v25 =	vld.idx.msk [tilespmem:v46+s14+$0x0], $0xffff  }
0xe8: {  	v16 =	vadd.bf16 v16, v17;
	v15 =	vadd.bf16 v24, v15;
	v21 =	vld.idx.msk [tilespmem:v46+s15+$0x0], $0xffff  }
0xe9: {  	v14 =	vadd.bf16 v19, v14;
	v19 =	vunpack.i.u.bf16.f32 v18;
	v18 =	vunpack.i.l.bf16.f32 v18;
	v17 =	vld.idx.msk [tilespmem:v33+s14+$0x0], $0xffff  }
0xea: {  	v24 =	vmul.bf16 v29, v42;
	v29 =	vunpack.i.u.bf16.f32 v16;
	v27 =	vmul.bf16 v34, v47;
	v26 =	vld.idx.msk [tilespmem:v33+s15+$0x0], $0xffff  }
0xeb: {  	v16 =	vunpack.i.l.bf16.f32 v16;
	v33 =	vunpack.i.u.bf16.f32 v15;
	v15 =	vunpack.i.l.bf16.f32 v15;
	v30 =	vld.idx.msk [tilespmem:v37+s14+$0x0], $0xffff  }
0xec: {  	v24 =	vadd.bf16 v27, v24;
	v20 =	vmul.bf16 v22, v20;
	v22 =	vunpack.i.u.bf16.f32 v14;
	v34 =	vld.idx.msk [tilespmem:v37+s15+$0x0], $0xffff  }
0xed: {  	v18 =	vadd.f32 v18, v19;
	v16 =	vadd.f32 v16, v29;
	v14 =	vunpack.i.l.bf16.f32 v14;
	v27 =	vld.idx.msk [tilespmem:v38+s14+$0x0], $0xffff  }
0xee: {  	v15 =	vadd.f32 v15, v33;
	v20 =	vadd.bf16 v20, v24;
	v21 =	vmul.bf16 v21, v25;
	v19 =	vld.idx.msk [tilespmem:v38+s15+$0x0], $0xffff  }
0xef: {  	v7 =	vadd.f32 v18, v7;
	v14 =	vadd.f32 v14, v22;
	v24 =	vld.idx.msk [tilespmem:v39+s14+$0x0], $0xffff  }
0xf0: {  	v10 =	vadd.f32 v16, v10;
	v17 =	vmul.bf16 v26, v17;
	v20 =	vadd.bf16 v21, v20;
	v18 =	vld.idx.msk [tilespmem:v39+s15+$0x0], $0xffff  }
0xf1: {  	v9 =	vadd.f32 v15, v9;
	v8 =	vadd.f32 v14, v8;
	v16 =	vld.idx.msk [tilespmem:v13+s14+$0x0], $0xffff  }
0xf2: {  	v14 =	vmul.bf16 v34, v30;
	v15 =	vunpack.i.u.bf16.f32 v20;
	v20 =	vunpack.i.l.bf16.f32 v20;
	v13 =	vld.idx.msk [tilespmem:v13+s15+$0x0], $0xffff  }
0xf3: {  	v15 =	vadd.f32 v20, v15;
	v21 =	vld.idx.msk [tilespmem:v31+s14+$0x0], $0xffff  }
0xf4: {  	v19 =	vmul.bf16 v19, v27;
	v20 =	vld.idx.msk [tilespmem:v31+s15+$0x0], $0xffff  }
0xf5: {  	v6 =	vadd.f32 v15, v6;
	v22 =	vld.idx.msk [tilespmem:v32+s14+$0x0], $0xffff  }
0xf6: {  	v24 =	vmul.bf16 v18, v24;
	v15 =	vld.idx.msk [tilespmem:v32+s15+$0x0], $0xffff  }
0xf7: {  	v18 =	vld.idx.msk [tilespmem:v28+s14+$0x0], $0xffff  }
0xf8: {  	v13 =	vmul.bf16 v13, v16;
	v16 =	vld.idx.msk [tilespmem:v28+s15+$0x0], $0xffff  }
0xf9: {  	v25 =	vld.idx.msk [tilespmem:v43+s14+$0x0], $0xffff  }
0xfa: {  	v20 =	vmul.bf16 v20, v21;
	v13 =	vadd.bf16 v17, v13;
	v21 =	vld.idx.msk [tilespmem:v43+s15+$0x0], $0xffff  }
0xfb: {  	v26 =	vld.idx.msk [tilespmem:v44+s14+$0x0], $0xffff  }
0xfc: {  	v22 =	vmul.bf16 v15, v22;
	v17 =	vadd.bf16 v14, v20;
	v27 =	vld.idx.msk [tilespmem:v44+s15+$0x0], $0xffff  }
0xfd: {  	v15 =	vld.idx.msk [tilespmem:v45+s14+$0x0], $0xffff  }
0xfe: {  	v14 =	vmul.bf16 v16, v18;
	v16 =	vadd.bf16 v19, v22;
	v20 =	vld.idx.msk [tilespmem:v45+s15+$0x0], $0xffff  }
0xff: {  	v18 =	vld.idx.msk [tilespmem:v48+s14+$0x0], $0xffff  }
.Ltmp1:
0x100: {  	v14 =	vadd.bf16 v24, v14;
	v19 =	vmul.bf16 v21, v25;
	v21 =	vld.idx.msk [tilespmem:v48+s15+$0x0], $0xffff;
	(pc) =	sbr.rel @p0 .LBB2_5-.Ltmp1, $4  }
0x101: {  	v22 =	vld.idx.msk [tilespmem:v49+s14+$0x0], $0xffff  }
0x102: {  	v25 =	vadd.s32 s26, v0;
	v19 =	vadd.bf16 v19, v13;
	v26 =	vmul.bf16 v27, v26;
	v24 =	vld.idx.msk [tilespmem:v49+s15+$0x0], $0xffff  }
0x103: {  	s28 =	sadd.s32 $0x1, s26;
	v28 =	vand.u32 $0x3F, v25;
	v25 =	vld.idx.msk [tilespmem:v23+s14+$0x0], $0xffff  }
0x104: {  	v30 =	vadd.s32 s28, v0;
	s26 =	sadd.s32 $0x4, s26;
	v13 =	vor.u32 v1, v28;
	v29 =	vor.u32 v5, v28;
	v27 =	vld.idx.msk [tilespmem:v23+s15+$0x0], $0xffff  }
0x105: {  	_ =	sdelay $0x3  }
0x106: {  	v62 =	vld.idx.msk [tilespmem:v12+s14+$0x0], $0xffff  }
0x107: {  	v63 =	vld.idx.msk [tilespmem:v12+s15+$0x0], $0xffff  }
0x108: {  	v33 =	vld.idx.msk [tilespmem:v11+s14+$0x0], $0xffff  }
0x109: {  	v11 =	vld.idx.msk [tilespmem:v11+s15+$0x0], $0xffff;
	v47 =	vor.u32 v2, v28  }
0x10a: {  	v36 =	vld.idx.msk [tilespmem:v29+s14+$0x0], $0xffff  }
0x10b: {  	v57 =	vld.idx.msk [tilespmem:v29+s15+$0x0], $0xffff;
	v49 =	vor.u32 v3, v28  }
0x10c: {  	v50 =	vld.idx.msk [tilespmem:v13+s14+$0x0], $0xffff  }
0x10d: {  	v58 =	vor.u32 v4, v28;
	v13 =	vld.idx.msk [tilespmem:v13+s15+$0x0], $0xffff  }
0x10e: {  	v23 =	vand.u32 $0x3F, v30;
	v51 =	vld.idx.msk [tilespmem:v47+s14+$0x0], $0xffff  }
0x10f: {  	v31 =	vor.u32 v5, v23;
	v47 =	vld.idx.msk [tilespmem:v47+s15+$0x0], $0xffff  }
0x110: {  	v53 =	vld.idx.msk [tilespmem:v49+s14+$0x0], $0xffff  }
0x111: {  	v39 =	vor.u32 v1, v23;
	v49 =	vld.idx.msk [tilespmem:v49+s15+$0x0], $0xffff  }
0x112: {  	v15 =	vmul.bf16 v20, v15;
	v20 =	vld.idx.msk [tilespmem:v58+s14+$0x0], $0xffff  }
0x113: {  	v41 =	vor.u32 v2, v23;
	v28 =	vld.idx.msk [tilespmem:v58+s15+$0x0], $0xffff  }
0x114: {  	v38 =	vld.idx.msk [tilespmem:v31+s14+$0x0], $0xffff  }
0x115: {  	v43 =	vor.u32 v3, v23;
	v31 =	vld.idx.msk [tilespmem:v31+s15+$0x0], $0xffff  }
0x116: {  	s26 =	sadd.s32 $0x2, s25;
	v44 =	vld.idx.msk [tilespmem:v39+s14+$0x0], $0xffff  }
0x117: {  	v32 =	vadd.s32 s26, v0;
	v23 =	vor.u32 v4, v23;
	v39 =	vld.idx.msk [tilespmem:v39+s15+$0x0], $0xffff  }
0x118: {  	s31 =	sadd.s32 $0x3, s25;
	v32 =	vand.u32 $0x3F, v32;
	v45 =	vld.idx.msk [tilespmem:v41+s14+$0x0], $0xffff  }
0x119: {  	v35 =	vadd.s32 s31, v0;
	v34 =	vor.u32 v5, v32;
	v41 =	vld.idx.msk [tilespmem:v41+s15+$0x0], $0xffff  }
0x11a: {  	v35 =	vand.u32 $0x3F, v35;
	v46 =	vld.idx.msk [tilespmem:v43+s14+$0x0], $0xffff  }
0x11b: {  	v37 =	vor.u32 v5, v35;
	v43 =	vld.idx.msk [tilespmem:v43+s15+$0x0], $0xffff  }
0x11c: {  	v48 =	vld.idx.msk [tilespmem:v23+s14+$0x0], $0xffff  }
0x11d: {  	v52 =	vor.u32 v1, v32;
	v23 =	vld.idx.msk [tilespmem:v23+s15+$0x0], $0xffff  }
0x11e: {  	v40 =	vld.idx.msk [tilespmem:v34+s14+$0x0], $0xffff  }
0x11f: {  	v54 =	vor.u32 v2, v32;
	v34 =	vld.idx.msk [tilespmem:v34+s15+$0x0], $0xffff  }
0x120: {  	v42 =	vld.idx.msk [tilespmem:v37+s14+$0x0], $0xffff  }
0x121: {  	v18 =	vmul.bf16 v21, v18;
	v59 =	vor.u32 v3, v32;
	v37 =	vld.idx.msk [tilespmem:v37+s15+$0x0], $0xffff  }
0x122: {  	v17 =	vadd.bf16 v26, v17;
	v60 =	vmul.bf16 v24, v22;
	v15 =	vadd.bf16 v15, v16;
	v16 =	vld.idx.msk [tilespmem:v52+s14+$0x0], $0xffff  }
0x123: {  	v14 =	vadd.bf16 v18, v14;
	v21 =	vor.u32 v1, v35;
	v61 =	vmul.bf16 v27, v25;
	v25 =	vld.idx.msk [tilespmem:v52+s15+$0x0], $0xffff  }
0x124: {  	v12 =	vmul.bf16 v63, v62;
	v62 =	vor.u32 v4, v32;
	v63 =	vadd.bf16 v60, v19;
	v19 =	vld.idx.msk [tilespmem:v54+s14+$0x0], $0xffff  }
0x125: {  	v56 =	vor.u32 v4, v35;
	v11 =	vmul.bf16 v11, v33;
	v29 =	vmul.bf16 v57, v36;
	v27 =	vld.idx.msk [tilespmem:v54+s15+$0x0], $0xffff  }
0x126: {  	v13 =	vmul.bf16 v13, v50;
	v17 =	vadd.bf16 v61, v17;
	v12 =	vadd.bf16 v12, v15;
	v55 =	vld.idx.msk [tilespmem:v59+s14+$0x0], $0xffff  }
0x127: {  	v11 =	vadd.bf16 v11, v14;
	v58 =	vunpack.i.u.bf16.f32 v63;
	v18 =	vunpack.i.l.bf16.f32 v63;
	v57 =	vld.idx.msk [tilespmem:v59+s15+$0x0], $0xffff  }
0x128: {  	v52 =	vor.u32 v2, v35;
	v61 =	vunpack.i.u.bf16.f32 v17;
	v17 =	vunpack.i.l.bf16.f32 v17;
	v63 =	vld.idx.msk [tilespmem:v21+s14+$0x0], $0xffff  }
0x129: {  	v54 =	vor.u32 v3, v35;
	v15 =	vadd.f32 v18, v58;
	v17 =	vadd.f32 v17, v61;
	v60 =	vld.idx.msk [tilespmem:v62+s14+$0x0], $0xffff  }
0x12a: {  	v36 =	vunpack.i.u.bf16.f32 v11;
	v11 =	vunpack.i.l.bf16.f32 v11;
	v24 =	vld.idx.msk [tilespmem:v62+s15+$0x0], $0xffff;
	v62 =	vunpack.i.u.bf16.f32 v12  }
0x12b: {  	v21 =	vld.idx.msk [tilespmem:v21+s15+$0x0], $0xffff;
	v12 =	vunpack.i.l.bf16.f32 v12;
	v7 =	vadd.f32 v15, v7;
	v11 =	vadd.f32 v11, v36  }
0x12c: {  	v50 =	vld.idx.msk [tilespmem:v56+s14+$0x0], $0xffff;
	v20 =	vmul.bf16 v28, v20;
	v31 =	vmul.bf16 v31, v38;
	v12 =	vadd.f32 v12, v62  }
0x12d: {  	v10 =	vadd.f32 v17, v10;
	v34 =	vmul.bf16 v34, v40;
	v37 =	vmul.bf16 v37, v42;
	v38 =	vld.idx.msk [tilespmem:v52+s14+$0x0], $0xffff  }
0x12e: {  	v8 =	vadd.f32 v11, v8;
	v40 =	vmul.bf16 v39, v44;
	v22 =	vld.idx.msk [tilespmem:v52+s15+$0x0], $0xffff;
	v42 =	vmul.bf16 v41, v45  }
0x12f: {  	v59 =	vadd.bf16 v31, v29;
	v44 =	vld.idx.msk [tilespmem:v54+s14+$0x0], $0xffff;
	v45 =	vmul.bf16 v43, v46;
	v46 =	vmul.bf16 v23, v48  }
0x130: {  	v9 =	vadd.f32 v12, v9;
	v30 =	vld.idx.msk [tilespmem:v54+s15+$0x0], $0xffff;
	v48 =	vmul.bf16 v47, v51;
	v51 =	vmul.bf16 v49, v53  }
0x131: {  	v52 =	vld.idx.msk [tilespmem:v56+s15+$0x0], $0xffff;
	v16 =	vmul.bf16 v25, v16;
	v19 =	vmul.bf16 v27, v19;
	v26 =	vadd.bf16 v34, v59  }
0x132: {  	v14 =	vmul.bf16 v57, v55;
	v13 =	vadd.bf16 v40, v13;
	v17 =	vadd.bf16 v42, v48  }
0x133: {  	v55 =	vmul.bf16 v21, v63;
	v12 =	vadd.bf16 v45, v51;
	v11 =	vadd.bf16 v46, v20  }
0x134: {  	v54 =	vmul.bf16 v24, v60;
	v26 =	vadd.bf16 v37, v26;
	v13 =	vadd.bf16 v16, v13  }
0x135: {  	v53 =	vadd.bf16 v19, v17;
	v12 =	vadd.bf16 v14, v12;
	v56 =	vmul.bf16 v22, v38  }
0x136: {  	v11 =	vadd.bf16 v54, v11;
	v57 =	vmul.bf16 v30, v44;
	v58 =	vmul.bf16 v52, v50  }
0x137: {  	v13 =	vadd.bf16 v55, v13;
	v14 =	vadd.bf16 v56, v53  }
0x138: {  	v59 =	vunpack.i.u.bf16.f32 v26;
	v12 =	vadd.bf16 v57, v12;
	v11 =	vadd.bf16 v58, v11  }
0x139: {  	v60 =	vunpack.i.u.bf16.f32 v13;
	v13 =	vunpack.i.l.bf16.f32 v13;
	v61 =	vunpack.i.u.bf16.f32 v14  }
0x13a: {  	v14 =	vunpack.i.l.bf16.f32 v14;
	v18 =	vunpack.i.u.bf16.f32 v12;
	v13 =	vadd.f32 v13, v60  }
0x13b: {  	v12 =	vunpack.i.l.bf16.f32 v12;
	v62 =	vunpack.i.u.bf16.f32 v11;
	v14 =	vadd.f32 v14, v61  }
0x13c: {  	s22 =	sadd.s32 $0x1, s22;
	v11 =	vunpack.i.l.bf16.f32 v11;
	v12 =	vadd.f32 v12, v18;
	v7 =	vadd.f32 v13, v7  }
0x13d: {  	p0 =	sne.s32 s22, $0x3E;
	v63 =	vunpack.i.l.bf16.f32 v26;
	v11 =	vadd.f32 v11, v62;
	v10 =	vadd.f32 v14, v10  }
.Ltmp2:
0x13e: {  	v13 =	vadd.f32 v63, v59;
	v9 =	vadd.f32 v12, v9;
	[tilespmem:s24+$0x9E20] =	vst v7;
	(pc) =	sbr.rel @p0 .LBB2_2-.Ltmp2, $4  }
0x13f: {  	v7 =	vadd.f32 v11, v8;
	[tilespmem:s23+$0x9E80] =	vst v10  }
0x140: {  	v6 =	vadd.f32 v13, v6;
	[tilespmem:s23+$0x9E90] =	vst v9  }
0x141: {  	[tilespmem:s23+$0x9EA0] =	vst v7  }
0x142: {  	[tilespmem:s23+$0x9EB0] =	vst v6  }
0x143: {  	s22 =	simm.s32 $0x0  }
0x144: {  	v6 =	vadd.s32 s22, v0  }
0x145: {  	_ =	swait.ge [sflag:s16], $0x1400;
	s29 =	simm.s32 $0x1;
	v6 =	vand.u32 $0x3F, v6  }
0x146: {  	[sflag:s16] =	ssyncset.done $0x0;
	v8 =	vadd.s32 s29, v0;
	v7 =	vor.u32 v5, v6  }
0x147: {  	s30 =	simm.s32 $0x2;
	[sflag:s16] =	ssyncadd.s32 $0xFFFFEC00;
	v8 =	vand.u32 $0x3F, v8  }
0x148: {  	v10 =	vadd.s32 s30, v0;
	_ =	swait.ge [sflag:s17], $0x1400;
	v9 =	vor.u32 v5, v8  }
0x149: {  	s31 =	simm.s32 $0x3;
	v10 =	vand.u32 $0x3F, v10;
	[sflag:s17] =	ssyncset.done $0x0  }
0x14a: {  	v12 =	vadd.s32 s31, v0;
	v11 =	vor.u32 v5, v10;
	[sflag:s17] =	ssyncadd.s32 $0xFFFFEC00  }
0x14b: {  	v14 =	vand.u32 $0x3F, v12;
	v13 =	vld.idx.msk [tilespmem:v7+s12+$0x0], $0xffff  }
0x14c: {  	v12 =	vor.u32 v5, v14;
	v7 =	vld.idx.msk [tilespmem:v7+s13+$0x0], $0xffff  }
0x14d: {  	v15 =	vld.idx.msk [tilespmem:v9+s12+$0x0], $0xffff  }
0x14e: {  	v16 =	vor.u32 v1, v8;
	v9 =	vld.idx.msk [tilespmem:v9+s13+$0x0], $0xffff  }
0x14f: {  	v17 =	vld.idx.msk [tilespmem:v11+s12+$0x0], $0xffff  }
0x150: {  	v18 =	vor.u32 v2, v8;
	v11 =	vld.idx.msk [tilespmem:v11+s13+$0x0], $0xffff  }
0x151: {  	v19 =	vld.idx.msk [tilespmem:v12+s12+$0x0], $0xffff  }
0x152: {  	v20 =	vor.u32 v3, v8;
	v12 =	vld.idx.msk [tilespmem:v12+s13+$0x0], $0xffff  }
0x153: {  	v21 =	vld.idx.msk [tilespmem:v16+s12+$0x0], $0xffff  }
0x154: {  	v8 =	vor.u32 v4, v8;
	v16 =	vld.idx.msk [tilespmem:v16+s13+$0x0], $0xffff  }
0x155: {  	v22 =	vld.idx.msk [tilespmem:v18+s12+$0x0], $0xffff  }
0x156: {  	v23 =	vor.u32 v1, v6;
	v18 =	vld.idx.msk [tilespmem:v18+s13+$0x0], $0xffff  }
0x157: {  	v24 =	vld.idx.msk [tilespmem:v20+s12+$0x0], $0xffff  }
0x158: {  	v25 =	vor.u32 v2, v6;
	v27 =	vor.u32 v3, v6;
	v6 =	vor.u32 v4, v6;
	v20 =	vld.idx.msk [tilespmem:v20+s13+$0x0], $0xffff  }
0x159: {  	v26 =	vld.idx.msk [tilespmem:v8+s12+$0x0], $0xffff  }
0x15a: {  	v8 =	vld.idx.msk [tilespmem:v8+s13+$0x0], $0xffff  }
0x15b: {  	v29 =	vor.u32 v3, v10;
	v28 =	vld.idx.msk [tilespmem:v23+s12+$0x0], $0xffff  }
0x15c: {  	v23 =	vld.idx.msk [tilespmem:v23+s13+$0x0], $0xffff  }
0x15d: {  	v30 =	vld.idx.msk [tilespmem:v6+s13+$0x0], $0xffff  }
0x15e: {  	v7 =	vmul.bf16 v7, v13;
	v13 =	vld.idx.msk [tilespmem:v25+s12+$0x0], $0xffff  }
0x15f: {  	v9 =	vmul.bf16 v9, v15;
	v15 =	vor.u32 v1, v10;
	v25 =	vld.idx.msk [tilespmem:v25+s13+$0x0], $0xffff;
	v16 =	vmul.bf16 v16, v21  }
0x160: {  	v21 =	vmul.bf16 v18, v22;
	v22 =	vmul.bf16 v20, v24;
	v20 =	vld.idx.msk [tilespmem:v29+s13+$0x0], $0xffff  }
0x161: {  	v7 =	vadd.bf16 v9, v7;
	v9 =	vmul.bf16 v11, v17;
	v17 =	vld.idx.msk [tilespmem:v27+s12+$0x0], $0xffff;
	v11 =	vor.u32 v2, v10  }
0x162: {  	v27 =	vld.idx.msk [tilespmem:v27+s13+$0x0], $0xffff  }
0x163: {  	v34 =	vor.u32 v2, v14;
	v7 =	vadd.bf16 v9, v7;
	v9 =	vmul.bf16 v12, v19;
	v19 =	vld.idx.msk [tilespmem:v6+s12+$0x0], $0xffff  }
0x164: {  	v10 =	vor.u32 v4, v10;
	v32 =	vld.idx.msk [tilespmem:v15+s13+$0x0], $0xffff  }
0x165: {  	v31 =	vor.u32 v1, v14;
	v6 =	vadd.bf16 v9, v7;
	v9 =	vld.idx.msk [tilespmem:v15+s12+$0x0], $0xffff  }
0x166: {  	v8 =	vmul.bf16 v8, v26;
	v13 =	vmul.bf16 v25, v13;
	v7 =	vimm.f32 $0.0e+00;
	v33 =	vld.idx.msk [tilespmem:v11+s12+$0x0], $0xffff  }
0x167: {  	v35 =	vld.idx.msk [tilespmem:v11+s13+$0x0], $0xffff;
	v11 =	vor.u32 v4, v14;
	v12 =	vunpack.i.u.bf16.f32 v6;
	v6 =	vunpack.i.l.bf16.f32 v6  }
0x168: {  	v25 =	vld.idx.msk [tilespmem:v34+s12+$0x0], $0xffff;
	v6 =	vadd.f32 v6, v12;
	v12 =	vor.u32 v3, v14;
	v14 =	vmul.bf16 v23, v28  }
0x169: {  	s23 =	simm.s32 $0x5;
	v18 =	vld.idx.msk [tilespmem:v10+s12+$0x0], $0xffff;
	v23 =	vmul.bf16 v27, v17;
	v19 =	vmul.bf16 v30, v19;
	v17 =	vadd.bf16 v21, v13  }
0x16a: {  	v21 =	vld.idx.msk [tilespmem:v10+s13+$0x0], $0xffff;
	v30 =	vadd.s32 s23, v0;
	v10 =	vimm.f32 $0.0e+00;
	v6 =	vadd.f32 v6, v7  }
0x16b: {  	s22 =	simm.s32 $0x4;
	v15 =	vld.idx.msk [tilespmem:v29+s12+$0x0], $0xffff;
	v24 =	vadd.bf16 v16, v14;
	v9 =	vmul.bf16 v32, v9;
	v16 =	vadd.bf16 v22, v23  }
0x16c: {  	v27 =	vld.idx.msk [tilespmem:v34+s13+$0x0], $0xffff;
	v14 =	vadd.bf16 v8, v19;
	v8 =	vadd.s32 s22, v0;
	v26 =	vmul.bf16 v35, v33  }
0x16d: {  	v22 =	vld.idx.msk [tilespmem:v31+s12+$0x0], $0xffff;
	v28 =	vand.u32 $0x3F, v8;
	v8 =	vimm.f32 $0.0e+00;
	v19 =	vadd.bf16 v9, v24  }
0x16e: {  	s23 =	simm.s32 $0x8;
	v24 =	vld.idx.msk [tilespmem:v31+s13+$0x0], $0xffff;
	v13 =	vor.u32 v1, v28;
	v29 =	vor.u32 v5, v28;
	v9 =	vimm.f32 $0.0e+00  }
.LBB2_8:
0x16f: {  	p0 =	sne.s32 s23, $0x3C;
	v31 =	vor.u32 v2, v28;
	v32 =	vor.u32 v3, v28;
	v23 =	vand.u32 $0x3F, v30;
	s24 =	sadd.s32 $0x2, s22;
	v30 =	vld.idx.msk [tilespmem:v12+s12+$0x0], $0xffff  }
0x170: {  	v33 =	vor.u32 v1, v23;
	v34 =	vor.u32 v5, v23;
	v35 =	vadd.s32 s24, v0;
	v36 =	vld.idx.msk [tilespmem:v12+s13+$0x0], $0xffff  }
0x171: {  	v37 =	vor.u32 v2, v23;
	v38 =	vor.u32 v3, v23;
	s24 =	sadd.s32 $0x3, s22;
	s22 =	smov.u32 s23;
	v12 =	vand.u32 $0x3F, v35;
	v35 =	vld.idx.msk [tilespmem:v11+s12+$0x0], $0xffff  }
0x172: {  	v39 =	vor.u32 v4, v23;
	v23 =	vadd.s32 s24, v0;
	v40 =	vor.u32 v5, v12;
	v41 =	vld.idx.msk [tilespmem:v11+s13+$0x0], $0xffff  }
0x173: {  	v28 =	vor.u32 v4, v28;
	v43 =	vor.u32 v1, v12;
	v11 =	vand.u32 $0x3F, v23;
	v42 =	vld.idx.msk [tilespmem:v29+s12+$0x0], $0xffff  }
0x174: {  	v44 =	vor.u32 v2, v12;
	v45 =	vor.u32 v3, v12;
	v46 =	vor.u32 v5, v11;
	v29 =	vld.idx.msk [tilespmem:v29+s13+$0x0], $0xffff  }
0x175: {  	v48 =	vor.u32 v4, v12;
	v49 =	vor.u32 v1, v11;
	v23 =	vor.u32 v2, v11;
	v47 =	vld.idx.msk [tilespmem:v34+s12+$0x0], $0xffff  }
0x176: {  	v15 =	vmul.bf16 v20, v15;
	v12 =	vor.u32 v3, v11;
	v11 =	vor.u32 v4, v11;
	v34 =	vld.idx.msk [tilespmem:v34+s13+$0x0], $0xffff  }
0x177: {  	v17 =	vadd.bf16 v26, v17;
	v18 =	vmul.bf16 v21, v18;
	v21 =	vmul.bf16 v24, v22;
	v20 =	vld.idx.msk [tilespmem:v40+s12+$0x0], $0xffff  }
0x178: {  	v15 =	vadd.bf16 v15, v16;
	v16 =	vmul.bf16 v27, v25;
	v24 =	vmul.bf16 v36, v30;
	v22 =	vld.idx.msk [tilespmem:v40+s13+$0x0], $0xffff  }
0x179: {  	v14 =	vadd.bf16 v18, v14;
	v18 =	vadd.bf16 v21, v19;
	v19 =	vmul.bf16 v41, v35;
	v25 =	vld.idx.msk [tilespmem:v46+s12+$0x0], $0xffff  }
0x17a: {  	v16 =	vadd.bf16 v16, v17;
	v15 =	vadd.bf16 v24, v15;
	v21 =	vld.idx.msk [tilespmem:v46+s13+$0x0], $0xffff  }
0x17b: {  	v14 =	vadd.bf16 v19, v14;
	v19 =	vunpack.i.u.bf16.f32 v18;
	v18 =	vunpack.i.l.bf16.f32 v18;
	v17 =	vld.idx.msk [tilespmem:v33+s12+$0x0], $0xffff  }
0x17c: {  	v24 =	vmul.bf16 v29, v42;
	v29 =	vunpack.i.u.bf16.f32 v16;
	v27 =	vmul.bf16 v34, v47;
	v26 =	vld.idx.msk [tilespmem:v33+s13+$0x0], $0xffff  }
0x17d: {  	v16 =	vunpack.i.l.bf16.f32 v16;
	v33 =	vunpack.i.u.bf16.f32 v15;
	v15 =	vunpack.i.l.bf16.f32 v15;
	v30 =	vld.idx.msk [tilespmem:v37+s12+$0x0], $0xffff  }
0x17e: {  	v24 =	vadd.bf16 v27, v24;
	v20 =	vmul.bf16 v22, v20;
	v22 =	vunpack.i.u.bf16.f32 v14;
	v34 =	vld.idx.msk [tilespmem:v37+s13+$0x0], $0xffff  }
0x17f: {  	v18 =	vadd.f32 v18, v19;
	v16 =	vadd.f32 v16, v29;
	v14 =	vunpack.i.l.bf16.f32 v14;
	v27 =	vld.idx.msk [tilespmem:v38+s12+$0x0], $0xffff  }
0x180: {  	v15 =	vadd.f32 v15, v33;
	v20 =	vadd.bf16 v20, v24;
	v21 =	vmul.bf16 v21, v25;
	v19 =	vld.idx.msk [tilespmem:v38+s13+$0x0], $0xffff  }
0x181: {  	v7 =	vadd.f32 v18, v7;
	v14 =	vadd.f32 v14, v22;
	v24 =	vld.idx.msk [tilespmem:v39+s12+$0x0], $0xffff  }
0x182: {  	v10 =	vadd.f32 v16, v10;
	v17 =	vmul.bf16 v26, v17;
	v20 =	vadd.bf16 v21, v20;
	v18 =	vld.idx.msk [tilespmem:v39+s13+$0x0], $0xffff  }
0x183: {  	v9 =	vadd.f32 v15, v9;
	v8 =	vadd.f32 v14, v8;
	v16 =	vld.idx.msk [tilespmem:v13+s12+$0x0], $0xffff  }
0x184: {  	v14 =	vmul.bf16 v34, v30;
	v15 =	vunpack.i.u.bf16.f32 v20;
	v20 =	vunpack.i.l.bf16.f32 v20;
	v13 =	vld.idx.msk [tilespmem:v13+s13+$0x0], $0xffff  }
0x185: {  	v15 =	vadd.f32 v20, v15;
	v21 =	vld.idx.msk [tilespmem:v31+s12+$0x0], $0xffff  }
0x186: {  	v19 =	vmul.bf16 v19, v27;
	v20 =	vld.idx.msk [tilespmem:v31+s13+$0x0], $0xffff  }
0x187: {  	v6 =	vadd.f32 v15, v6;
	v22 =	vld.idx.msk [tilespmem:v32+s12+$0x0], $0xffff  }
0x188: {  	v24 =	vmul.bf16 v18, v24;
	v15 =	vld.idx.msk [tilespmem:v32+s13+$0x0], $0xffff  }
0x189: {  	v18 =	vld.idx.msk [tilespmem:v28+s12+$0x0], $0xffff  }
0x18a: {  	v13 =	vmul.bf16 v13, v16;
	v16 =	vld.idx.msk [tilespmem:v28+s13+$0x0], $0xffff  }
0x18b: {  	v25 =	vld.idx.msk [tilespmem:v43+s12+$0x0], $0xffff  }
0x18c: {  	v20 =	vmul.bf16 v20, v21;
	v13 =	vadd.bf16 v17, v13;
	v21 =	vld.idx.msk [tilespmem:v43+s13+$0x0], $0xffff  }
0x18d: {  	v26 =	vld.idx.msk [tilespmem:v44+s12+$0x0], $0xffff  }
0x18e: {  	v22 =	vmul.bf16 v15, v22;
	v17 =	vadd.bf16 v14, v20;
	v27 =	vld.idx.msk [tilespmem:v44+s13+$0x0], $0xffff  }
0x18f: {  	v15 =	vld.idx.msk [tilespmem:v45+s12+$0x0], $0xffff  }
0x190: {  	v14 =	vmul.bf16 v16, v18;
	v16 =	vadd.bf16 v19, v22;
	v20 =	vld.idx.msk [tilespmem:v45+s13+$0x0], $0xffff  }
0x191: {  	v18 =	vld.idx.msk [tilespmem:v48+s12+$0x0], $0xffff  }
.Ltmp3:
0x192: {  	v14 =	vadd.bf16 v24, v14;
	v19 =	vmul.bf16 v21, v25;
	v21 =	vld.idx.msk [tilespmem:v48+s13+$0x0], $0xffff;
	(pc) =	sbr.rel @p0 .LBB2_8-.Ltmp3, $4  }
0x193: {  	v22 =	vld.idx.msk [tilespmem:v49+s12+$0x0], $0xffff  }
0x194: {  	v25 =	vadd.s32 s23, v0;
	v19 =	vadd.bf16 v19, v13;
	v26 =	vmul.bf16 v27, v26;
	v24 =	vld.idx.msk [tilespmem:v49+s13+$0x0], $0xffff  }
0x195: {  	s24 =	sadd.s32 $0x1, s23;
	v28 =	vand.u32 $0x3F, v25;
	v25 =	vld.idx.msk [tilespmem:v23+s12+$0x0], $0xffff  }
0x196: {  	v30 =	vadd.s32 s24, v0;
	s23 =	sadd.s32 $0x4, s23;
	v13 =	vor.u32 v1, v28;
	v29 =	vor.u32 v5, v28;
	v27 =	vld.idx.msk [tilespmem:v23+s13+$0x0], $0xffff  }
0x197: {  	_ =	sdelay $0x3  }
0x198: {  	v62 =	vld.idx.msk [tilespmem:v12+s12+$0x0], $0xffff  }
0x199: {  	v63 =	vld.idx.msk [tilespmem:v12+s13+$0x0], $0xffff  }
0x19a: {  	v33 =	vld.idx.msk [tilespmem:v11+s12+$0x0], $0xffff  }
0x19b: {  	v11 =	vld.idx.msk [tilespmem:v11+s13+$0x0], $0xffff;
	v47 =	vor.u32 v2, v28  }
0x19c: {  	v36 =	vld.idx.msk [tilespmem:v29+s12+$0x0], $0xffff  }
0x19d: {  	v57 =	vld.idx.msk [tilespmem:v29+s13+$0x0], $0xffff;
	v49 =	vor.u32 v3, v28  }
0x19e: {  	v50 =	vld.idx.msk [tilespmem:v13+s12+$0x0], $0xffff  }
0x19f: {  	v58 =	vor.u32 v4, v28;
	v13 =	vld.idx.msk [tilespmem:v13+s13+$0x0], $0xffff  }
0x1a0: {  	v23 =	vand.u32 $0x3F, v30;
	v51 =	vld.idx.msk [tilespmem:v47+s12+$0x0], $0xffff  }
0x1a1: {  	v31 =	vor.u32 v5, v23;
	v47 =	vld.idx.msk [tilespmem:v47+s13+$0x0], $0xffff  }
0x1a2: {  	v53 =	vld.idx.msk [tilespmem:v49+s12+$0x0], $0xffff  }
0x1a3: {  	v39 =	vor.u32 v1, v23;
	v49 =	vld.idx.msk [tilespmem:v49+s13+$0x0], $0xffff  }
0x1a4: {  	v15 =	vmul.bf16 v20, v15;
	v20 =	vld.idx.msk [tilespmem:v58+s12+$0x0], $0xffff  }
0x1a5: {  	v41 =	vor.u32 v2, v23;
	v28 =	vld.idx.msk [tilespmem:v58+s13+$0x0], $0xffff  }
0x1a6: {  	v38 =	vld.idx.msk [tilespmem:v31+s12+$0x0], $0xffff  }
0x1a7: {  	v43 =	vor.u32 v3, v23;
	v31 =	vld.idx.msk [tilespmem:v31+s13+$0x0], $0xffff  }
0x1a8: {  	s23 =	sadd.s32 $0x2, s22;
	v44 =	vld.idx.msk [tilespmem:v39+s12+$0x0], $0xffff  }
0x1a9: {  	v32 =	vadd.s32 s23, v0;
	v23 =	vor.u32 v4, v23;
	v39 =	vld.idx.msk [tilespmem:v39+s13+$0x0], $0xffff  }
0x1aa: {  	s31 =	sadd.s32 $0x3, s22;
	v32 =	vand.u32 $0x3F, v32;
	v45 =	vld.idx.msk [tilespmem:v41+s12+$0x0], $0xffff  }
0x1ab: {  	v35 =	vadd.s32 s31, v0;
	v34 =	vor.u32 v5, v32;
	v41 =	vld.idx.msk [tilespmem:v41+s13+$0x0], $0xffff  }
0x1ac: {  	v35 =	vand.u32 $0x3F, v35;
	v46 =	vld.idx.msk [tilespmem:v43+s12+$0x0], $0xffff  }
0x1ad: {  	v37 =	vor.u32 v5, v35;
	v43 =	vld.idx.msk [tilespmem:v43+s13+$0x0], $0xffff  }
0x1ae: {  	v48 =	vld.idx.msk [tilespmem:v23+s12+$0x0], $0xffff  }
0x1af: {  	v52 =	vor.u32 v1, v32;
	v23 =	vld.idx.msk [tilespmem:v23+s13+$0x0], $0xffff  }
0x1b0: {  	v40 =	vld.idx.msk [tilespmem:v34+s12+$0x0], $0xffff  }
0x1b1: {  	v54 =	vor.u32 v2, v32;
	v34 =	vld.idx.msk [tilespmem:v34+s13+$0x0], $0xffff  }
0x1b2: {  	v42 =	vld.idx.msk [tilespmem:v37+s12+$0x0], $0xffff  }
0x1b3: {  	v18 =	vmul.bf16 v21, v18;
	v59 =	vor.u32 v3, v32;
	v37 =	vld.idx.msk [tilespmem:v37+s13+$0x0], $0xffff  }
0x1b4: {  	v17 =	vadd.bf16 v26, v17;
	v60 =	vmul.bf16 v24, v22;
	v15 =	vadd.bf16 v15, v16;
	v16 =	vld.idx.msk [tilespmem:v52+s12+$0x0], $0xffff  }
0x1b5: {  	v14 =	vadd.bf16 v18, v14;
	v21 =	vor.u32 v1, v35;
	v61 =	vmul.bf16 v27, v25;
	v25 =	vld.idx.msk [tilespmem:v52+s13+$0x0], $0xffff  }
0x1b6: {  	v12 =	vmul.bf16 v63, v62;
	v62 =	vor.u32 v4, v32;
	v63 =	vadd.bf16 v60, v19;
	v19 =	vld.idx.msk [tilespmem:v54+s12+$0x0], $0xffff  }
0x1b7: {  	v56 =	vor.u32 v4, v35;
	v11 =	vmul.bf16 v11, v33;
	v29 =	vmul.bf16 v57, v36;
	v27 =	vld.idx.msk [tilespmem:v54+s13+$0x0], $0xffff  }
0x1b8: {  	v13 =	vmul.bf16 v13, v50;
	v17 =	vadd.bf16 v61, v17;
	v12 =	vadd.bf16 v12, v15;
	v55 =	vld.idx.msk [tilespmem:v59+s12+$0x0], $0xffff  }
0x1b9: {  	v11 =	vadd.bf16 v11, v14;
	v58 =	vunpack.i.u.bf16.f32 v63;
	v18 =	vunpack.i.l.bf16.f32 v63;
	v57 =	vld.idx.msk [tilespmem:v59+s13+$0x0], $0xffff  }
0x1ba: {  	v52 =	vor.u32 v2, v35;
	v61 =	vunpack.i.u.bf16.f32 v17;
	v17 =	vunpack.i.l.bf16.f32 v17;
	v63 =	vld.idx.msk [tilespmem:v21+s12+$0x0], $0xffff  }
0x1bb: {  	v54 =	vor.u32 v3, v35;
	v15 =	vadd.f32 v18, v58;
	v17 =	vadd.f32 v17, v61;
	v60 =	vld.idx.msk [tilespmem:v62+s12+$0x0], $0xffff  }
0x1bc: {  	v36 =	vunpack.i.u.bf16.f32 v11;
	v11 =	vunpack.i.l.bf16.f32 v11;
	v24 =	vld.idx.msk [tilespmem:v62+s13+$0x0], $0xffff;
	v62 =	vunpack.i.u.bf16.f32 v12  }
0x1bd: {  	v21 =	vld.idx.msk [tilespmem:v21+s13+$0x0], $0xffff;
	v12 =	vunpack.i.l.bf16.f32 v12;
	v7 =	vadd.f32 v15, v7;
	v11 =	vadd.f32 v11, v36  }
0x1be: {  	v50 =	vld.idx.msk [tilespmem:v56+s12+$0x0], $0xffff;
	v20 =	vmul.bf16 v28, v20;
	v31 =	vmul.bf16 v31, v38;
	v12 =	vadd.f32 v12, v62  }
0x1bf: {  	v10 =	vadd.f32 v17, v10;
	v34 =	vmul.bf16 v34, v40;
	v37 =	vmul.bf16 v37, v42;
	v38 =	vld.idx.msk [tilespmem:v52+s12+$0x0], $0xffff  }
0x1c0: {  	v8 =	vadd.f32 v11, v8;
	v40 =	vmul.bf16 v39, v44;
	v22 =	vld.idx.msk [tilespmem:v52+s13+$0x0], $0xffff;
	v42 =	vmul.bf16 v41, v45  }
0x1c1: {  	v59 =	vadd.bf16 v31, v29;
	v44 =	vld.idx.msk [tilespmem:v54+s12+$0x0], $0xffff;
	v45 =	vmul.bf16 v43, v46;
	v46 =	vmul.bf16 v23, v48  }
0x1c2: {  	v9 =	vadd.f32 v12, v9;
	v30 =	vld.idx.msk [tilespmem:v54+s13+$0x0], $0xffff;
	v48 =	vmul.bf16 v47, v51;
	v51 =	vmul.bf16 v49, v53  }
0x1c3: {  	v52 =	vld.idx.msk [tilespmem:v56+s13+$0x0], $0xffff;
	v16 =	vmul.bf16 v25, v16;
	v19 =	vmul.bf16 v27, v19;
	v26 =	vadd.bf16 v34, v59  }
0x1c4: {  	v14 =	vmul.bf16 v57, v55;
	v13 =	vadd.bf16 v40, v13;
	v17 =	vadd.bf16 v42, v48  }
0x1c5: {  	v55 =	vmul.bf16 v21, v63;
	v12 =	vadd.bf16 v45, v51;
	v11 =	vadd.bf16 v46, v20  }
0x1c6: {  	v54 =	vmul.bf16 v24, v60;
	v26 =	vadd.bf16 v37, v26;
	v13 =	vadd.bf16 v16, v13  }
0x1c7: {  	v53 =	vadd.bf16 v19, v17;
	v12 =	vadd.bf16 v14, v12;
	v56 =	vmul.bf16 v22, v38  }
0x1c8: {  	v11 =	vadd.bf16 v54, v11;
	v57 =	vmul.bf16 v30, v44;
	v58 =	vmul.bf16 v52, v50  }
0x1c9: {  	v13 =	vadd.bf16 v55, v13;
	v14 =	vadd.bf16 v56, v53  }
0x1ca: {  	v59 =	vunpack.i.u.bf16.f32 v26;
	v12 =	vadd.bf16 v57, v12;
	v11 =	vadd.bf16 v58, v11  }
0x1cb: {  	v60 =	vunpack.i.u.bf16.f32 v13;
	v13 =	vunpack.i.l.bf16.f32 v13;
	v61 =	vunpack.i.u.bf16.f32 v14  }
0x1cc: {  	v14 =	vunpack.i.l.bf16.f32 v14;
	v18 =	vunpack.i.u.bf16.f32 v12;
	v13 =	vadd.f32 v13, v60  }
0x1cd: {  	v12 =	vunpack.i.l.bf16.f32 v12;
	v62 =	vunpack.i.u.bf16.f32 v11;
	v14 =	vadd.f32 v14, v61  }
0x1ce: {  	v11 =	vunpack.i.l.bf16.f32 v11;
	v12 =	vadd.f32 v12, v18;
	v7 =	vadd.f32 v13, v7  }
0x1cf: {  	v63 =	vunpack.i.l.bf16.f32 v26;
	v11 =	vadd.f32 v11, v62;
	v10 =	vadd.f32 v14, v10  }
0x1d0: {  	v13 =	vadd.f32 v63, v59;
	v9 =	vadd.f32 v12, v9;
	[tilespmem:$0xC4E0] =	vst v7  }
0x1d1: {  	v7 =	vadd.f32 v11, v8;
	[tilespmem:$0xC4F0] =	vst v10  }
0x1d2: {  	s21 =	sadd.s32 $0x1, s21;
	v6 =	vadd.f32 v13, v6;
	[tilespmem:$0xC500] =	vst v9  }
0x1d3: {  	p0 =	sne.s32 s21, s8;
	[tilespmem:$0xC510] =	vst v7  }
.Ltmp4:
0x1d4: {  	[tilespmem:$0xC520] =	vst v6;
	(pc) =	sbr.rel @p0 .LBB2_1-.Ltmp4, $4  }
0x1d5: {  	[hbm4b:s7+s2] =	stream.linear.scatter [tilespmem:s20], [sflag:$0x5], $0x2710, $0x38;
	[tilespmem:$0xC530] =	vst v63  }
0x1d6: {  	_ =	swait.ge [sflag:s9], $0x2710  }
0x1d7: {  	[sflag:s9] =	ssyncset.done $0x0  }
0x1d8: {  	[sflag:s9] =	ssyncadd.s32 $0xFFFFD8F0  }
0x1d9: {  	_ =	sfence.sel $0x180000  }
0x1da: {  	[bflag:$0x0] =	sbarrier.arrive $0xFFFF  }
0x1db: {  	p0 =	sne.s32 s1, $0x0;
	_ =	strace $0x90000047  }
0x1dc: {  	s0 =	sadd.s32 @!p0 $0x100000, s0;
	[bflag:$0x2] =	sbarrier.arrive $0xFFFF  }
0x1dd: {  	[sflag:s0] =	ssyncadd.tile.s32 @!p0 $0x1;
	_ =	shalt  }
.Lfunc_end2:
_tile_overlayer_lowered:
.L_overlay_start_2:
0x1de: {  	(tag) =	ssettag $0x2  }
0x1df: {  	s0 =	rddreg [dreg:$0x0];
	s2 =	stileid.u32  }
0x1e0: {  	s1 =	rddreg [dreg:$0x1];
	p0 =	sne.s32 s2, $0x0  }
0x1e1: {  	s3 =	rddreg [dreg:$0x2];
	[bflag:$0x3] =	sbarrier.arrive $0xFFFF;
	s2 =	simm.s32 @!p0 $0x1C05  }
0x1e2: {  	[timem:s3], [sflag:s2] =	dma.local @!p0 [hbm:s0], s1  }
0x1e3: {  	s0 =	simm.s32 @!p0 $0x5  }
0x1e4: {  	_ =	swait.ge @!p0 [sflag:s0], s1  }
0x1e5: {  	s1 =	ssub.s32 @!p0 $0x0, s1;
	[sflag:s0] =	ssyncset.done @!p0 $0x0  }
0x1e6: {  	[sflag:s0] =	ssyncadd.s32 @!p0 s1  }
0x1e7: {  	[bflag:$0x3] =	sbarrier.arrive $0xFFFF  }
0x1e8: {  	_ =	shalt  }

</sc_bundles>
